<compile_context>
chip_gen: v7x
topology: tpu7x:2x2x1
jax: 0.10.2.dev20260603
libtpu: 0.0.44.dev20260713+nightly
codegen_flags: <defaults>
</compile_context>

<pallas_src>
import functools

import jax
import jax.numpy as jnp
import numpy as np
from jax import lax
from jax.experimental import pallas as pl
from jax.experimental.pallas import tpu as pltpu
from jax.experimental.pallas import tpu_sc as plsc

N_ELEMS = 2097152
SC_N = N_ELEMS // 4
NW = 32
PER_W = SC_N // NW
CHUNK = PER_W // 2
NCHUNK = PER_W // CHUNK
LANES = 16
UNROLL = 8

TC_CHUNK = 262144
TC_GRID = (N_ELEMS - SC_N) // TC_CHUNK

_TAB_SHIFT = 15
_TAB_BASE = 0x38800000 >> _TAB_SHIFT
_TAB_N = (0x3F800000 >> _TAB_SHIFT) - _TAB_BASE + 1
_TAB_PAD = 3600


def _make_log_table():
    idx = np.arange(_TAB_PAD, dtype=np.int64)
    bits = ((idx + _TAB_BASE) << _TAB_SHIFT) + (1 << (_TAB_SHIFT - 1))
    return np.log(bits.astype(np.uint32).view(np.float32)).astype(np.float32)


_LOG_TABLE = _make_log_table()


def _sc_partials(pred, target, table):
    mesh = plsc.VectorSubcoreMesh(core_axis_name="c", subcore_axis_name="s")

    @functools.partial(
        pl.kernel,
        mesh=mesh,
        compiler_params=pltpu.CompilerParams(needs_layout_passes=False),
        out_type=jax.ShapeDtypeStruct((NW * LANES,), jnp.float32),
        scratch_types=[
            pltpu.VMEM((2, CHUNK), jnp.float32),
            pltpu.VMEM((2, CHUNK), jnp.int32),
            pltpu.VMEM((_TAB_PAD,), jnp.float32),
            pltpu.VMEM((LANES,), jnp.float32),
            pltpu.SemaphoreType.DMA,
            pltpu.SemaphoreType.DMA,
            pltpu.SemaphoreType.DMA,
            pltpu.SemaphoreType.DMA,
            pltpu.SemaphoreType.DMA,
        ],
    )
    def k(pred_hbm, targ_hbm, tab_hbm, out_hbm,
          pbuf, tbuf, tab, obuf, sp0, sp1, st0, st1, stab):
        wid = lax.axis_index("s") * 2 + lax.axis_index("c")
        base = wid * PER_W
        psems = (sp0, sp1)
        tsems = (st0, st1)

        ctab = pltpu.async_copy(tab_hbm, tab, stab)
        for b in (0, 1):
            off = base + b * CHUNK
            pltpu.async_copy(pred_hbm.at[pl.ds(off, CHUNK)], pbuf.at[b], psems[b])
            pltpu.async_copy(targ_hbm.at[pl.ds(off, CHUNK)], tbuf.at[b], tsems[b])
        ctab.wait()

        def pair_body(kp, accs):
            for b in (0, 1):
                pltpu.make_async_copy(
                    pred_hbm.at[pl.ds(0, CHUNK)], pbuf.at[b], psems[b]).wait()
                pltpu.make_async_copy(
                    targ_hbm.at[pl.ds(0, CHUNK)], tbuf.at[b], tsems[b]).wait()

                def body(i, acc_t, b=b):
                    vbase = i * (LANES * UNROLL)
                    out = []
                    for j in range(UNROLL):
                        off = vbase + j * LANES
                        pv = pbuf[b, pl.ds(off, LANES)]
                        tv = tbuf[b, pl.ds(off, LANES)]
                        t1 = tv == 1
                        omp = 1.0 - pv
                        q = jnp.where(t1, pv, omp)
                        q = jnp.maximum(q, 1e-4)
                        iq = lax.bitcast_convert_type(q, jnp.int32)
                        ii = lax.shift_right_logical(iq, _TAB_SHIFT) - _TAB_BASE
                        ln_q = plsc.load_gather(tab, [ii])
                        u = jnp.where(t1, omp, pv)
                        a = jnp.where(t1, 0.25, 0.75)
                        out.append(acc_t[j] + (a * (u * u)) * ln_q)
                    return tuple(out)

                accs = lax.fori_loop(0, CHUNK // (LANES * UNROLL), body, accs)

                nxt = kp * 2 + b + 2

                @pl.when(nxt < NCHUNK)
                def _(b=b, nxt=nxt):
                    off = base + nxt * CHUNK
                    pltpu.async_copy(
                        pred_hbm.at[pl.ds(off, CHUNK)], pbuf.at[b], psems[b])
                    pltpu.async_copy(
                        targ_hbm.at[pl.ds(off, CHUNK)], tbuf.at[b], tsems[b])
            return accs

        accs = tuple(jnp.zeros((LANES,), jnp.float32) for _ in range(UNROLL))
        accs = lax.fori_loop(0, NCHUNK // 2, pair_body, accs)

        total = accs[0]
        for j in range(1, UNROLL):
            total = total + accs[j]
        obuf[...] = total
        pltpu.sync_copy(obuf, out_hbm.at[pl.ds(wid * LANES, LANES)])

    return k(pred, target, table)


def _tc_part(p_hbm, t_hbm, o_ref, pbuf, tbuf, s0, s1):
    sems = (s0, s1)
    copies = {}

    def start(k):
        b = k % 2
        off = SC_N + k * TC_CHUNK
        copies[k] = (
            pltpu.async_copy(p_hbm.at[pl.ds(off, TC_CHUNK)], pbuf.at[b], sems[b]),
            pltpu.async_copy(t_hbm.at[pl.ds(off, TC_CHUNK)], tbuf.at[b], sems[b]),
        )

    start(0)
    acc = jnp.zeros((TC_CHUNK // 1024, 1024), jnp.float32)
    for k in range(TC_GRID):
        if k + 1 < TC_GRID:
            start(k + 1)
        cp, ct = copies.pop(k)
        cp.wait()
        ct.wait()
        b = k % 2
        p = pbuf[b].reshape(TC_CHUNK // 1024, 1024)
        tf = tbuf[b].reshape(TC_CHUNK // 1024, 1024).astype(jnp.float32)
        w = tf * (2.0 * p - 1.0)
        q = jnp.maximum((1.0 - p) + w, 1e-4)
        u = p - w
        a = 0.75 - 0.5 * tf
        acc = acc + a * (u * u) * jnp.log(q)
    o_ref[0, 0] = jnp.sum(acc)


def _tc_partial(pred, target):
    return pl.pallas_call(
        _tc_part,
        in_specs=[
            pl.BlockSpec(memory_space=pl.ANY),
            pl.BlockSpec(memory_space=pl.ANY),
        ],
        out_shape=jax.ShapeDtypeStruct((1, 1), jnp.float32),
        out_specs=pl.BlockSpec(memory_space=pltpu.SMEM),
        scratch_shapes=[
            pltpu.VMEM((2, TC_CHUNK), jnp.float32),
            pltpu.VMEM((2, TC_CHUNK), jnp.int32),
            pltpu.SemaphoreType.DMA,
            pltpu.SemaphoreType.DMA,
        ],
    )(pred, target)


def _finish(x_ref, s_ref, o_ref):
    o_ref[0, 0] = (jnp.sum(x_ref[...]) + s_ref[0, 0]) * (-1.0 / N_ELEMS)


def kernel(pred, target):
    table = jnp.asarray(_LOG_TABLE)
    partials = _sc_partials(pred, target, table)
    tc_sum = _tc_partial(pred, target)
    out = pl.pallas_call(
        _finish,
        out_shape=jax.ShapeDtypeStruct((1, 1), jnp.float32),
        in_specs=[
            pl.BlockSpec((4, 128), lambda: (0, 0)),
            pl.BlockSpec(memory_space=pltpu.SMEM),
        ],
        out_specs=pl.BlockSpec(memory_space=pltpu.SMEM),
    )(partials.reshape(4, 128), tc_sum)
    return out[0, 0]

# --- scband reference (transcript-rebuilt; emitter-appended) ---
"""Pipeline reference for scband-focal-loss-39728447488090 (READ-ONLY COPY).

The authoritative reference and input builder live on the scoring server;
editing this copy changes nothing except your own understanding.
"""

import jax, jax.numpy as jnp
import numpy as np

N = 2097152
ALPHA = 0.25
GAMMA = 2


def setup_inputs(seed: int = 0) -> dict:
    key = jax.random.key(seed)
    k1, k2 = jax.random.split(key)
    pred = jax.random.uniform(k1, (N,), dtype=jnp.float32)
    target = jax.random.randint(k2, (N,), 0, 2, dtype=jnp.int32)
    return {"pred": pred, "target": target}


def reference(pred, target):
    batch_size = target.shape[0]
    p = pred.reshape(batch_size, -1)  # [B, 1]
    t = target.reshape(-1)
    # two-class distribution: column 0 = 1-p, column 1 = p
    p2 = jnp.concatenate((1.0 - p, p), axis=1)  # [B, 2]
    # class_mask via scatter-overwrite (one-hot of target)
    class_mask = jnp.zeros((p2.shape[0], p2.shape[1]), dtype=p2.dtype)
    class_mask = class_mask.at[jnp.arange(batch_size), t].set(1.0)
    probs = (p2 * class_mask).sum(axis=1).reshape(-1, 1)
    probs = jnp.clip(probs, 0.0001, 1.0)
    log_p = jnp.log(probs)
    alpha = jnp.ones((p2.shape[0], p2.shape[1]), dtype=p2.dtype)
    alpha = alpha.at[:, 0].set(1.0 - ALPHA)
    alpha = alpha.at[:, 1].set(ALPHA)
    a = (alpha * class_mask).sum(axis=1).reshape(-1, 1)
    batch_loss = -a * jnp.power(1.0 - probs, GAMMA) * log_p
    loss = batch_loss.mean()  # size_average=True
    return loss

if __name__ == "__main__":
    import jax
    _d = setup_inputs()
    print(jax.jit(kernel)(*tuple(_d.values())))

</pallas_src>

<mosaic_0001>
#map = affine_map<(d0, d1) -> (0)>
module attributes {stable_mosaic.version = 14 : i64} {
  func.func @k(%arg0: i32, %arg1: i32, %arg2: memref<2097152xf32, #tpu.memory_space<hbm>>, %arg3: memref<2097152xi32, #tpu.memory_space<hbm>>, %arg4: memref<3600xf32, #tpu.memory_space<hbm>>, %arg5: memref<512xf32, #tpu.memory_space<hbm>>, %arg6: memref<2x8192xf32, #tpu.memory_space<vmem>>, %arg7: memref<2x8192xi32, #tpu.memory_space<vmem>>, %arg8: memref<3600xf32, #tpu.memory_space<vmem>>, %arg9: memref<16xf32, #tpu.memory_space<vmem>>, %arg10: memref<!tpu.dma_semaphore, #tpu.memory_space<semaphore_mem>>, %arg11: memref<!tpu.dma_semaphore, #tpu.memory_space<semaphore_mem>>, %arg12: memref<!tpu.dma_semaphore, #tpu.memory_space<semaphore_mem>>, %arg13: memref<!tpu.dma_semaphore, #tpu.memory_space<semaphore_mem>>, %arg14: memref<!tpu.dma_semaphore, #tpu.memory_space<semaphore_mem>>) attributes {dimension_semantics = [#tpu.dimension_semantics<core_parallel>, #tpu.dimension_semantics<subcore_parallel>], iteration_bounds = array<i64: 2, 16>, scalar_prefetch = 0 : i64, scratch_operands = 9 : i64, tpu.core_type = #tpu.core_type<sc_vector_subcore>, window_params = [{transform_indices = #map}, {transform_indices = #map}, {transform_indices = #map}, {transform_indices = #map}]} {
    %mul3A = arith.constant 2 : i32
    %mul3A_0 = arith.muli %arg1, %mul3A : i32
    %add3A = arith.addi %mul3A_0, %arg0 : i32
    %mul3A_1 = arith.constant 16384 : i32
    %mul3A_2 = arith.muli %add3A, %mul3A_1 : i32
    tpu.enqueue_dma source(%arg4 : memref<3600xf32, #tpu.memory_space<hbm>>) target(%arg8 : memref<3600xf32, #tpu.memory_space<vmem>>) target_semaphore(%arg14 : memref<!tpu.dma_semaphore, #tpu.memory_space<semaphore_mem>>)
    %add3A_3 = arith.constant 0 : i32
    %add3A_4 = arith.addi %mul3A_2, %add3A_3 : i32
    %dma_start3A = arith.constant 0 : i32
    %dma_start3A_5 = arith.constant 0 : i32
    %dma_start3A_6 = tpu.memref_slice %arg6[%dma_start3A, %dma_start3A_5] : memref<2x8192xf32, #tpu.memory_space<vmem>> -> memref<1x8192xf32, #tpu.memory_space<vmem>>
    %dma_start3A_7 = tpu.memref_squeeze %dma_start3A_6 : memref<1x8192xf32, #tpu.memory_space<vmem>> -> memref<8192xf32, #tpu.memory_space<vmem>>
    %dma_start3A_8 = tpu.memref_slice %arg2[%add3A_4] : memref<2097152xf32, #tpu.memory_space<hbm>> -> memref<8192xf32, #tpu.memory_space<hbm>>
    %dma_start3A_9 = arith.constant 0 : i32
    %dma_start3A_10 = tpu.memref_slice %arg6[%dma_start3A, %dma_start3A_9] : memref<2x8192xf32, #tpu.memory_space<vmem>> -> memref<1x8192xf32, #tpu.memory_space<vmem>>
    %dma_start3A_11 = tpu.memref_squeeze %dma_start3A_10 : memref<1x8192xf32, #tpu.memory_space<vmem>> -> memref<8192xf32, #tpu.memory_space<vmem>>
    %dma_start3A_12 = tpu.memref_slice %arg2[%add3A_4] : memref<2097152xf32, #tpu.memory_space<hbm>> -> memref<8192xf32, #tpu.memory_space<hbm>>
    tpu.enqueue_dma source(%dma_start3A_12 : memref<8192xf32, #tpu.memory_space<hbm>>) target(%dma_start3A_11 : memref<8192xf32, #tpu.memory_space<vmem>>) target_semaphore(%arg10 : memref<!tpu.dma_semaphore, #tpu.memory_space<semaphore_mem>>)
    %dma_start3A_13 = arith.constant 0 : i32
    %dma_start3A_14 = arith.constant 0 : i32
    %dma_start3A_15 = tpu.memref_slice %arg7[%dma_start3A_13, %dma_start3A_14] : memref<2x8192xi32, #tpu.memory_space<vmem>> -> memref<1x8192xi32, #tpu.memory_space<vmem>>
    %dma_start3A_16 = tpu.memref_squeeze %dma_start3A_15 : memref<1x8192xi32, #tpu.memory_space<vmem>> -> memref<8192xi32, #tpu.memory_space<vmem>>
    %dma_start3A_17 = tpu.memref_slice %arg3[%add3A_4] : memref<2097152xi32, #tpu.memory_space<hbm>> -> memref<8192xi32, #tpu.memory_space<hbm>>
    %dma_start3A_18 = arith.constant 0 : i32
    %dma_start3A_19 = tpu.memref_slice %arg7[%dma_start3A_13, %dma_start3A_18] : memref<2x8192xi32, #tpu.memory_space<vmem>> -> memref<1x8192xi32, #tpu.memory_space<vmem>>
    %dma_start3A_20 = tpu.memref_squeeze %dma_start3A_19 : memref<1x8192xi32, #tpu.memory_space<vmem>> -> memref<8192xi32, #tpu.memory_space<vmem>>
    %dma_start3A_21 = tpu.memref_slice %arg3[%add3A_4] : memref<2097152xi32, #tpu.memory_space<hbm>> -> memref<8192xi32, #tpu.memory_space<hbm>>
    tpu.enqueue_dma source(%dma_start3A_21 : memref<8192xi32, #tpu.memory_space<hbm>>) target(%dma_start3A_20 : memref<8192xi32, #tpu.memory_space<vmem>>) target_semaphore(%arg12 : memref<!tpu.dma_semaphore, #tpu.memory_space<semaphore_mem>>)
    %add3A_22 = arith.constant 8192 : i32
    %add3A_23 = arith.addi %mul3A_2, %add3A_22 : i32
    %dma_start3A_24 = arith.constant 1 : i32
    %dma_start3A_25 = arith.constant 0 : i32
    %dma_start3A_26 = tpu.memref_slice %arg6[%dma_start3A_24, %dma_start3A_25] : memref<2x8192xf32, #tpu.memory_space<vmem>> -> memref<1x8192xf32, #tpu.memory_space<vmem>>
    %dma_start3A_27 = tpu.memref_squeeze %dma_start3A_26 : memref<1x8192xf32, #tpu.memory_space<vmem>> -> memref<8192xf32, #tpu.memory_space<vmem>>
    %dma_start3A_28 = tpu.memref_slice %arg2[%add3A_23] : memref<2097152xf32, #tpu.memory_space<hbm>> -> memref<8192xf32, #tpu.memory_space<hbm>>
    %dma_start3A_29 = arith.constant 0 : i32
    %dma_start3A_30 = tpu.memref_slice %arg6[%dma_start3A_24, %dma_start3A_29] : memref<2x8192xf32, #tpu.memory_space<vmem>> -> memref<1x8192xf32, #tpu.memory_space<vmem>>
    %dma_start3A_31 = tpu.memref_squeeze %dma_start3A_30 : memref<1x8192xf32, #tpu.memory_space<vmem>> -> memref<8192xf32, #tpu.memory_space<vmem>>
    %dma_start3A_32 = tpu.memref_slice %arg2[%add3A_23] : memref<2097152xf32, #tpu.memory_space<hbm>> -> memref<8192xf32, #tpu.memory_space<hbm>>
    tpu.enqueue_dma source(%dma_start3A_32 : memref<8192xf32, #tpu.memory_space<hbm>>) target(%dma_start3A_31 : memref<8192xf32, #tpu.memory_space<vmem>>) target_semaphore(%arg11 : memref<!tpu.dma_semaphore, #tpu.memory_space<semaphore_mem>>)
    %dma_start3A_33 = arith.constant 1 : i32
    %dma_start3A_34 = arith.constant 0 : i32
    %dma_start3A_35 = tpu.memref_slice %arg7[%dma_start3A_33, %dma_start3A_34] : memref<2x8192xi32, #tpu.memory_space<vmem>> -> memref<1x8192xi32, #tpu.memory_space<vmem>>
    %dma_start3A_36 = tpu.memref_squeeze %dma_start3A_35 : memref<1x8192xi32, #tpu.memory_space<vmem>> -> memref<8192xi32, #tpu.memory_space<vmem>>
    %dma_start3A_37 = tpu.memref_slice %arg3[%add3A_23] : memref<2097152xi32, #tpu.memory_space<hbm>> -> memref<8192xi32, #tpu.memory_space<hbm>>
    %dma_start3A_38 = arith.constant 0 : i32
    %dma_start3A_39 = tpu.memref_slice %arg7[%dma_start3A_33, %dma_start3A_38] : memref<2x8192xi32, #tpu.memory_space<vmem>> -> memref<1x8192xi32, #tpu.memory_space<vmem>>
    %dma_start3A_40 = tpu.memref_squeeze %dma_start3A_39 : memref<1x8192xi32, #tpu.memory_space<vmem>> -> memref<8192xi32, #tpu.memory_space<vmem>>
    %dma_start3A_41 = tpu.memref_slice %arg3[%add3A_23] : memref<2097152xi32, #tpu.memory_space<hbm>> -> memref<8192xi32, #tpu.memory_space<hbm>>
    tpu.enqueue_dma source(%dma_start3A_41 : memref<8192xi32, #tpu.memory_space<hbm>>) target(%dma_start3A_40 : memref<8192xi32, #tpu.memory_space<vmem>>) target_semaphore(%arg13 : memref<!tpu.dma_semaphore, #tpu.memory_space<semaphore_mem>>)
    tpu.wait_dma2 semaphore(%arg14 : memref<!tpu.dma_semaphore, #tpu.memory_space<semaphore_mem>>) src(%arg4 : memref<3600xf32, #tpu.memory_space<hbm>>) dst(%arg8 : memref<3600xf32, #tpu.memory_space<vmem>>)
    %broadcast_in_dim3A = arith.constant 0.000000e+00 : f32
    %broadcast_in_dim3A_42 = vector.broadcast %broadcast_in_dim3A : f32 to vector<16xf32>
    %broadcast_in_dim3A_43 = arith.constant 0.000000e+00 : f32
    %broadcast_in_dim3A_44 = vector.broadcast %broadcast_in_dim3A_43 : f32 to vector<16xf32>
    %broadcast_in_dim3A_45 = arith.constant 0.000000e+00 : f32
    %broadcast_in_dim3A_46 = vector.broadcast %broadcast_in_dim3A_45 : f32 to vector<16xf32>
    %broadcast_in_dim3A_47 = arith.constant 0.000000e+00 : f32
    %broadcast_in_dim3A_48 = vector.broadcast %broadcast_in_dim3A_47 : f32 to vector<16xf32>
    %broadcast_in_dim3A_49 = arith.constant 0.000000e+00 : f32
    %broadcast_in_dim3A_50 = vector.broadcast %broadcast_in_dim3A_49 : f32 to vector<16xf32>
    %broadcast_in_dim3A_51 = arith.constant 0.000000e+00 : f32
    %broadcast_in_dim3A_52 = vector.broadcast %broadcast_in_dim3A_51 : f32 to vector<16xf32>
    %broadcast_in_dim3A_53 = arith.constant 0.000000e+00 : f32
    %broadcast_in_dim3A_54 = vector.broadcast %broadcast_in_dim3A_53 : f32 to vector<16xf32>
    %broadcast_in_dim3A_55 = arith.constant 0.000000e+00 : f32
    %broadcast_in_dim3A_56 = vector.broadcast %broadcast_in_dim3A_55 : f32 to vector<16xf32>
    %scan3A = arith.constant 0 : i32
    %dma_wait3A = arith.constant 0 : i32
    %dma_wait3A_57 = arith.constant 0 : i32
    %dma_wait3A_58 = tpu.memref_slice %arg6[%dma_wait3A, %dma_wait3A_57] : memref<2x8192xf32, #tpu.memory_space<vmem>> -> memref<1x8192xf32, #tpu.memory_space<vmem>>
    %dma_wait3A_59 = tpu.memref_squeeze %dma_wait3A_58 : memref<1x8192xf32, #tpu.memory_space<vmem>> -> memref<8192xf32, #tpu.memory_space<vmem>>
    %dma_wait3A_60 = arith.constant 0 : i32
    %dma_wait3A_61 = tpu.memref_slice %arg2[%dma_wait3A_60] : memref<2097152xf32, #tpu.memory_space<hbm>> -> memref<8192xf32, #tpu.memory_space<hbm>>
    %dma_wait3A_62 = arith.constant 0 : i32
    %dma_wait3A_63 = tpu.memref_slice %arg6[%dma_wait3A, %dma_wait3A_62] : memref<2x8192xf32, #tpu.memory_space<vmem>> -> memref<1x8192xf32, #tpu.memory_space<vmem>>
    %dma_wait3A_64 = tpu.memref_squeeze %dma_wait3A_63 : memref<1x8192xf32, #tpu.memory_space<vmem>> -> memref<8192xf32, #tpu.memory_space<vmem>>
    %dma_wait3A_65 = arith.constant 0 : i32
    %dma_wait3A_66 = tpu.memref_slice %arg2[%dma_wait3A_65] : memref<2097152xf32, #tpu.memory_space<hbm>> -> memref<8192xf32, #tpu.memory_space<hbm>>
    tpu.wait_dma2 semaphore(%arg10 : memref<!tpu.dma_semaphore, #tpu.memory_space<semaphore_mem>>) src(%dma_wait3A_66 : memref<8192xf32, #tpu.memory_space<hbm>>) dst(%dma_wait3A_64 : memref<8192xf32, #tpu.memory_space<vmem>>)
    %dma_wait3A_67 = arith.constant 0 : i32
    %dma_wait3A_68 = arith.constant 0 : i32
    %dma_wait3A_69 = tpu.memref_slice %arg7[%dma_wait3A_67, %dma_wait3A_68] : memref<2x8192xi32, #tpu.memory_space<vmem>> -> memref<1x8192xi32, #tpu.memory_space<vmem>>
    %dma_wait3A_70 = tpu.memref_squeeze %dma_wait3A_69 : memref<1x8192xi32, #tpu.memory_space<vmem>> -> memref<8192xi32, #tpu.memory_space<vmem>>
    %dma_wait3A_71 = arith.constant 0 : i32
    %dma_wait3A_72 = tpu.memref_slice %arg3[%dma_wait3A_71] : memref<2097152xi32, #tpu.memory_space<hbm>> -> memref<8192xi32, #tpu.memory_space<hbm>>
    %dma_wait3A_73 = arith.constant 0 : i32
    %dma_wait3A_74 = tpu.memref_slice %arg7[%dma_wait3A_67, %dma_wait3A_73] : memref<2x8192xi32, #tpu.memory_space<vmem>> -> memref<1x8192xi32, #tpu.memory_space<vmem>>
    %dma_wait3A_75 = tpu.memref_squeeze %dma_wait3A_74 : memref<1x8192xi32, #tpu.memory_space<vmem>> -> memref<8192xi32, #tpu.memory_space<vmem>>
    %dma_wait3A_76 = arith.constant 0 : i32
    %dma_wait3A_77 = tpu.memref_slice %arg3[%dma_wait3A_76] : memref<2097152xi32, #tpu.memory_space<hbm>> -> memref<8192xi32, #tpu.memory_space<hbm>>
    tpu.wait_dma2 semaphore(%arg12 : memref<!tpu.dma_semaphore, #tpu.memory_space<semaphore_mem>>) src(%dma_wait3A_77 : memref<8192xi32, #tpu.memory_space<hbm>>) dst(%dma_wait3A_75 : memref<8192xi32, #tpu.memory_space<vmem>>)
    %scan3A_78 = arith.constant 0 : i32
    %scan3A_79 = arith.constant 64 : i32
    %scan3A_80 = arith.addi %scan3A_78, %scan3A_79 : i32
    %scan3A_81 = arith.constant 1 : i32
    %scan3A_82:8 = scf.for %scan3A_142 = %scan3A_78 to %scan3A_80 step %scan3A_81 iter_args(%scan3A_143 = %broadcast_in_dim3A_42, %scan3A_144 = %broadcast_in_dim3A_44, %scan3A_145 = %broadcast_in_dim3A_46, %scan3A_146 = %broadcast_in_dim3A_48, %scan3A_147 = %broadcast_in_dim3A_50, %scan3A_148 = %broadcast_in_dim3A_52, %scan3A_149 = %broadcast_in_dim3A_54, %scan3A_150 = %broadcast_in_dim3A_56) -> (vector<16xf32>, vector<16xf32>, vector<16xf32>, vector<16xf32>, vector<16xf32>, vector<16xf32>, vector<16xf32>, vector<16xf32>)  : i32 {
      %mul3A_151 = arith.constant 128 : i32
      %mul3A_152 = arith.muli %scan3A_142, %mul3A_151 : i32
      %add3A_153 = arith.constant 0 : i32
      %add3A_154 = arith.addi %mul3A_152, %add3A_153 : i32
      %get3A = arith.constant 0 : i32
      %get3A_155 = arith.index_cast %get3A : i32 to index
      %get3A_156 = arith.index_cast %add3A_154 : i32 to index
      %get3A_157 = tpu.vector_load %arg6[%get3A_155, %get3A_156] {strides = array<i32>} : memref<2x8192xf32, #tpu.memory_space<vmem>>, vector<16xf32>,
      %get3A_158 = arith.constant 0 : i32
      %get3A_159 = arith.index_cast %get3A_158 : i32 to index
      %get3A_160 = arith.index_cast %add3A_154 : i32 to index
      %get3A_161 = tpu.vector_load %arg7[%get3A_159, %get3A_160] {strides = array<i32>} : memref<2x8192xi32, #tpu.memory_space<vmem>>, vector<16xi32>,
      %eq3A = arith.constant 1 : i32
      %eq3A_162 = vector.broadcast %eq3A : i32 to vector<16xi32>
      %eq3A_163 = arith.cmpi eq, %get3A_161, %eq3A_162 : vector<16xi32>
      %sub3A = arith.constant 1.000000e+00 : f32
      %sub3A_164 = vector.broadcast %sub3A : f32 to vector<16xf32>
      %sub3A_165 = arith.subf %sub3A_164, %get3A_157 : vector<16xf32>
      %select_n3A = arith.select %eq3A_163, %get3A_157, %sub3A_165 : vector<16xi1>, vector<16xf32>
      %max3A = arith.constant 9.99999974E-5 : f32
      %max3A_166 = vector.broadcast %max3A : f32 to vector<16xf32>
      %max3A_167 = arith.maximumf %select_n3A, %max3A_166 : vector<16xf32>
      %bitcast_convert_type3A = tpu.bitcast %max3A_167 : vector<16xf32> -> vector<16xi32>
      %shift_right_logical3A = arith.constant 15 : i32
      %shift_right_logical3A_168 = vector.broadcast %shift_right_logical3A : i32 to vector<16xi32>
      %shift_right_logical3A_169 = arith.shrui %bitcast_convert_type3A, %shift_right_logical3A_168 : vector<16xi32>
      %sub3A_170 = arith.constant 28928 : i32
      %sub3A_171 = vector.broadcast %sub3A_170 : i32 to vector<16xi32>
      %sub3A_172 = arith.subi %shift_right_logical3A_169, %sub3A_171 : vector<16xi32>
      %gather3A = tpu.vector_load_idx %arg8[%sub3A_172] : memref<3600xf32, #tpu.memory_space<vmem>>[vector<16xi32>], vector<16xf32>,
      %select_n3A_173 = arith.select %eq3A_163, %sub3A_165, %get3A_157 : vector<16xi1>, vector<16xf32>
      %jit3A = arith.constant 2.500000e-01 : f32
      %jit3A_174 = arith.constant 7.500000e-01 : f32
      %broadcast_in_dim3A_175 = vector.broadcast %jit3A : f32 to vector<16xf32>
      %broadcast_in_dim3A_176 = vector.broadcast %jit3A_174 : f32 to vector<16xf32>
      %select_n3A_177 = arith.select %eq3A_163, %broadcast_in_dim3A_175, %broadcast_in_dim3A_176 : vector<16xi1>, vector<16xf32>
      %mul3A_178 = arith.mulf %select_n3A_173, %select_n3A_173 : vector<16xf32>
      %mul3A_179 = arith.mulf %select_n3A_177, %mul3A_178 : vector<16xf32>
      %mul3A_180 = arith.mulf %mul3A_179, %gather3A : vector<16xf32>
      %add3A_181 = arith.addf %scan3A_143, %mul3A_180 : vector<16xf32>
      %add3A_182 = arith.constant 16 : i32
      %add3A_183 = arith.addi %mul3A_152, %add3A_182 : i32
      %get3A_184 = arith.constant 0 : i32
      %get3A_185 = arith.index_cast %get3A_184 : i32 to index
      %get3A_186 = arith.index_cast %add3A_183 : i32 to index
      %get3A_187 = tpu.vector_load %arg6[%get3A_185, %get3A_186] {strides = array<i32>} : memref<2x8192xf32, #tpu.memory_space<vmem>>, vector<16xf32>,
      %get3A_188 = arith.constant 0 : i32
      %get3A_189 = arith.index_cast %get3A_188 : i32 to index
      %get3A_190 = arith.index_cast %add3A_183 : i32 to index
      %get3A_191 = tpu.vector_load %arg7[%get3A_189, %get3A_190] {strides = array<i32>} : memref<2x8192xi32, #tpu.memory_space<vmem>>, vector<16xi32>,
      %eq3A_192 = arith.constant 1 : i32
      %eq3A_193 = vector.broadcast %eq3A_192 : i32 to vector<16xi32>
      %eq3A_194 = arith.cmpi eq, %get3A_191, %eq3A_193 : vector<16xi32>
      %sub3A_195 = arith.constant 1.000000e+00 : f32
      %sub3A_196 = vector.broadcast %sub3A_195 : f32 to vector<16xf32>
      %sub3A_197 = arith.subf %sub3A_196, %get3A_187 : vector<16xf32>
      %select_n3A_198 = arith.select %eq3A_194, %get3A_187, %sub3A_197 : vector<16xi1>, vector<16xf32>
      %max3A_199 = arith.constant 9.99999974E-5 : f32
      %max3A_200 = vector.broadcast %max3A_199 : f32 to vector<16xf32>
      %max3A_201 = arith.maximumf %select_n3A_198, %max3A_200 : vector<16xf32>
      %bitcast_convert_type3A_202 = tpu.bitcast %max3A_201 : vector<16xf32> -> vector<16xi32>
      %shift_right_logical3A_203 = arith.constant 15 : i32
      %shift_right_logical3A_204 = vector.broadcast %shift_right_logical3A_203 : i32 to vector<16xi32>
      %shift_right_logical3A_205 = arith.shrui %bitcast_convert_type3A_202, %shift_right_logical3A_204 : vector<16xi32>
      %sub3A_206 = arith.constant 28928 : i32
      %sub3A_207 = vector.broadcast %sub3A_206 : i32 to vector<16xi32>
      %sub3A_208 = arith.subi %shift_right_logical3A_205, %sub3A_207 : vector<16xi32>
      %gather3A_209 = tpu.vector_load_idx %arg8[%sub3A_208] : memref<3600xf32, #tpu.memory_space<vmem>>[vector<16xi32>], vector<16xf32>,
      %select_n3A_210 = arith.select %eq3A_194, %sub3A_197, %get3A_187 : vector<16xi1>, vector<16xf32>
      %jit3A_211 = arith.constant 2.500000e-01 : f32
      %jit3A_212 = arith.constant 7.500000e-01 : f32
      %broadcast_in_dim3A_213 = vector.broadcast %jit3A_211 : f32 to vector<16xf32>
      %broadcast_in_dim3A_214 = vector.broadcast %jit3A_212 : f32 to vector<16xf32>
      %select_n3A_215 = arith.select %eq3A_194, %broadcast_in_dim3A_213, %broadcast_in_dim3A_214 : vector<16xi1>, vector<16xf32>
      %mul3A_216 = arith.mulf %select_n3A_210, %select_n3A_210 : vector<16xf32>
      %mul3A_217 = arith.mulf %select_n3A_215, %mul3A_216 : vector<16xf32>
      %mul3A_218 = arith.mulf %mul3A_217, %gather3A_209 : vector<16xf32>
      %add3A_219 = arith.addf %scan3A_144, %mul3A_218 : vector<16xf32>
      %add3A_220 = arith.constant 32 : i32
      %add3A_221 = arith.addi %mul3A_152, %add3A_220 : i32
      %get3A_222 = arith.constant 0 : i32
      %get3A_223 = arith.index_cast %get3A_222 : i32 to index
      %get3A_224 = arith.index_cast %add3A_221 : i32 to index
      %get3A_225 = tpu.vector_load %arg6[%get3A_223, %get3A_224] {strides = array<i32>} : memref<2x8192xf32, #tpu.memory_space<vmem>>, vector<16xf32>,
      %get3A_226 = arith.constant 0 : i32
      %get3A_227 = arith.index_cast %get3A_226 : i32 to index
      %get3A_228 = arith.index_cast %add3A_221 : i32 to index
      %get3A_229 = tpu.vector_load %arg7[%get3A_227, %get3A_228] {strides = array<i32>} : memref<2x8192xi32, #tpu.memory_space<vmem>>, vector<16xi32>,
      %eq3A_230 = arith.constant 1 : i32
      %eq3A_231 = vector.broadcast %eq3A_230 : i32 to vector<16xi32>
      %eq3A_232 = arith.cmpi eq, %get3A_229, %eq3A_231 : vector<16xi32>
      %sub3A_233 = arith.constant 1.000000e+00 : f32
      %sub3A_234 = vector.broadcast %sub3A_233 : f32 to vector<16xf32>
      %sub3A_235 = arith.subf %sub3A_234, %get3A_225 : vector<16xf32>
      %select_n3A_236 = arith.select %eq3A_232, %get3A_225, %sub3A_235 : vector<16xi1>, vector<16xf32>
      %max3A_237 = arith.constant 9.99999974E-5 : f32
      %max3A_238 = vector.broadcast %max3A_237 : f32 to vector<16xf32>
      %max3A_239 = arith.maximumf %select_n3A_236, %max3A_238 : vector<16xf32>
      %bitcast_convert_type3A_240 = tpu.bitcast %max3A_239 : vector<16xf32> -> vector<16xi32>
      %shift_right_logical3A_241 = arith.constant 15 : i32
      %shift_right_logical3A_242 = vector.broadcast %shift_right_logical3A_241 : i32 to vector<16xi32>
      %shift_right_logical3A_243 = arith.shrui %bitcast_convert_type3A_240, %shift_right_logical3A_242 : vector<16xi32>
      %sub3A_244 = arith.constant 28928 : i32
      %sub3A_245 = vector.broadcast %sub3A_244 : i32 to vector<16xi32>
      %sub3A_246 = arith.subi %shift_right_logical3A_243, %sub3A_245 : vector<16xi32>
      %gather3A_247 = tpu.vector_load_idx %arg8[%sub3A_246] : memref<3600xf32, #tpu.memory_space<vmem>>[vector<16xi32>], vector<16xf32>,
      %select_n3A_248 = arith.select %eq3A_232, %sub3A_235, %get3A_225 : vector<16xi1>, vector<16xf32>
      %jit3A_249 = arith.constant 2.500000e-01 : f32
      %jit3A_250 = arith.constant 7.500000e-01 : f32
      %broadcast_in_dim3A_251 = vector.broadcast %jit3A_249 : f32 to vector<16xf32>
      %broadcast_in_dim3A_252 = vector.broadcast %jit3A_250 : f32 to vector<16xf32>
      %select_n3A_253 = arith.select %eq3A_232, %broadcast_in_dim3A_251, %broadcast_in_dim3A_252 : vector<16xi1>, vector<16xf32>
      %mul3A_254 = arith.mulf %select_n3A_248, %select_n3A_248 : vector<16xf32>
      %mul3A_255 = arith.mulf %select_n3A_253, %mul3A_254 : vector<16xf32>
      %mul3A_256 = arith.mulf %mul3A_255, %gather3A_247 : vector<16xf32>
      %add3A_257 = arith.addf %scan3A_145, %mul3A_256 : vector<16xf32>
      %add3A_258 = arith.constant 48 : i32
      %add3A_259 = arith.addi %mul3A_152, %add3A_258 : i32
      %get3A_260 = arith.constant 0 : i32
      %get3A_261 = arith.index_cast %get3A_260 : i32 to index
      %get3A_262 = arith.index_cast %add3A_259 : i32 to index
      %get3A_263 = tpu.vector_load %arg6[%get3A_261, %get3A_262] {strides = array<i32>} : memref<2x8192xf32, #tpu.memory_space<vmem>>, vector<16xf32>,
      %get3A_264 = arith.constant 0 : i32
      %get3A_265 = arith.index_cast %get3A_264 : i32 to index
      %get3A_266 = arith.index_cast %add3A_259 : i32 to index
      %get3A_267 = tpu.vector_load %arg7[%get3A_265, %get3A_266] {strides = array<i32>} : memref<2x8192xi32, #tpu.memory_space<vmem>>, vector<16xi32>,
      %eq3A_268 = arith.constant 1 : i32
      %eq3A_269 = vector.broadcast %eq3A_268 : i32 to vector<16xi32>
      %eq3A_270 = arith.cmpi eq, %get3A_267, %eq3A_269 : vector<16xi32>
      %sub3A_271 = arith.constant 1.000000e+00 : f32
      %sub3A_272 = vector.broadcast %sub3A_271 : f32 to vector<16xf32>
      %sub3A_273 = arith.subf %sub3A_272, %get3A_263 : vector<16xf32>
      %select_n3A_274 = arith.select %eq3A_270, %get3A_263, %sub3A_273 : vector<16xi1>, vector<16xf32>
      %max3A_275 = arith.constant 9.99999974E-5 : f32
      %max3A_276 = vector.broadcast %max3A_275 : f32 to vector<16xf32>
      %max3A_277 = arith.maximumf %select_n3A_274, %max3A_276 : vector<16xf32>
      %bitcast_convert_type3A_278 = tpu.bitcast %max3A_277 : vector<16xf32> -> vector<16xi32>
      %shift_right_logical3A_279 = arith.constant 15 : i32
      %shift_right_logical3A_280 = vector.broadcast %shift_right_logical3A_279 : i32 to vector<16xi32>
      %shift_right_logical3A_281 = arith.shrui %bitcast_convert_type3A_278, %shift_right_logical3A_280 : vector<16xi32>
      %sub3A_282 = arith.constant 28928 : i32
      %sub3A_283 = vector.broadcast %sub3A_282 : i32 to vector<16xi32>
      %sub3A_284 = arith.subi %shift_right_logical3A_281, %sub3A_283 : vector<16xi32>
      %gather3A_285 = tpu.vector_load_idx %arg8[%sub3A_284] : memref<3600xf32, #tpu.memory_space<vmem>>[vector<16xi32>], vector<16xf32>,
      %select_n3A_286 = arith.select %eq3A_270, %sub3A_273, %get3A_263 : vector<16xi1>, vector<16xf32>
      %jit3A_287 = arith.constant 2.500000e-01 : f32
      %jit3A_288 = arith.constant 7.500000e-01 : f32
      %broadcast_in_dim3A_289 = vector.broadcast %jit3A_287 : f32 to vector<16xf32>
      %broadcast_in_dim3A_290 = vector.broadcast %jit3A_288 : f32 to vector<16xf32>
      %select_n3A_291 = arith.select %eq3A_270, %broadcast_in_dim3A_289, %broadcast_in_dim3A_290 : vector<16xi1>, vector<16xf32>
      %mul3A_292 = arith.mulf %select_n3A_286, %select_n3A_286 : vector<16xf32>
      %mul3A_293 = arith.mulf %select_n3A_291, %mul3A_292 : vector<16xf32>
      %mul3A_294 = arith.mulf %mul3A_293, %gather3A_285 : vector<16xf32>
      %add3A_295 = arith.addf %scan3A_146, %mul3A_294 : vector<16xf32>
      %add3A_296 = arith.constant 64 : i32
      %add3A_297 = arith.addi %mul3A_152, %add3A_296 : i32
      %get3A_298 = arith.constant 0 : i32
      %get3A_299 = arith.index_cast %get3A_298 : i32 to index
      %get3A_300 = arith.index_cast %add3A_297 : i32 to index
      %get3A_301 = tpu.vector_load %arg6[%get3A_299, %get3A_300] {strides = array<i32>} : memref<2x8192xf32, #tpu.memory_space<vmem>>, vector<16xf32>,
      %get3A_302 = arith.constant 0 : i32
      %get3A_303 = arith.index_cast %get3A_302 : i32 to index
      %get3A_304 = arith.index_cast %add3A_297 : i32 to index
      %get3A_305 = tpu.vector_load %arg7[%get3A_303, %get3A_304] {strides = array<i32>} : memref<2x8192xi32, #tpu.memory_space<vmem>>, vector<16xi32>,
      %eq3A_306 = arith.constant 1 : i32
      %eq3A_307 = vector.broadcast %eq3A_306 : i32 to vector<16xi32>
      %eq3A_308 = arith.cmpi eq, %get3A_305, %eq3A_307 : vector<16xi32>
      %sub3A_309 = arith.constant 1.000000e+00 : f32
      %sub3A_310 = vector.broadcast %sub3A_309 : f32 to vector<16xf32>
      %sub3A_311 = arith.subf %sub3A_310, %get3A_301 : vector<16xf32>
      %select_n3A_312 = arith.select %eq3A_308, %get3A_301, %sub3A_311 : vector<16xi1>, vector<16xf32>
      %max3A_313 = arith.constant 9.99999974E-5 : f32
      %max3A_314 = vector.broadcast %max3A_313 : f32 to vector<16xf32>
      %max3A_315 = arith.maximumf %select_n3A_312, %max3A_314 : vector<16xf32>
      %bitcast_convert_type3A_316 = tpu.bitcast %max3A_315 : vector<16xf32> -> vector<16xi32>
      %shift_right_logical3A_317 = arith.constant 15 : i32
      %shift_right_logical3A_318 = vector.broadcast %shift_right_logical3A_317 : i32 to vector<16xi32>
      %shift_right_logical3A_319 = arith.shrui %bitcast_convert_type3A_316, %shift_right_logical3A_318 : vector<16xi32>
      %sub3A_320 = arith.constant 28928 : i32
      %sub3A_321 = vector.broadcast %sub3A_320 : i32 to vector<16xi32>
      %sub3A_322 = arith.subi %shift_right_logical3A_319, %sub3A_321 : vector<16xi32>
      %gather3A_323 = tpu.vector_load_idx %arg8[%sub3A_322] : memref<3600xf32, #tpu.memory_space<vmem>>[vector<16xi32>], vector<16xf32>,
      %select_n3A_324 = arith.select %eq3A_308, %sub3A_311, %get3A_301 : vector<16xi1>, vector<16xf32>
      %jit3A_325 = arith.constant 2.500000e-01 : f32
      %jit3A_326 = arith.constant 7.500000e-01 : f32
      %broadcast_in_dim3A_327 = vector.broadcast %jit3A_325 : f32 to vector<16xf32>
      %broadcast_in_dim3A_328 = vector.broadcast %jit3A_326 : f32 to vector<16xf32>
      %select_n3A_329 = arith.select %eq3A_308, %broadcast_in_dim3A_327, %broadcast_in_dim3A_328 : vector<16xi1>, vector<16xf32>
      %mul3A_330 = arith.mulf %select_n3A_324, %select_n3A_324 : vector<16xf32>
      %mul3A_331 = arith.mulf %select_n3A_329, %mul3A_330 : vector<16xf32>
      %mul3A_332 = arith.mulf %mul3A_331, %gather3A_323 : vector<16xf32>
      %add3A_333 = arith.addf %scan3A_147, %mul3A_332 : vector<16xf32>
      %add3A_334 = arith.constant 80 : i32
      %add3A_335 = arith.addi %mul3A_152, %add3A_334 : i32
      %get3A_336 = arith.constant 0 : i32
      %get3A_337 = arith.index_cast %get3A_336 : i32 to index
      %get3A_338 = arith.index_cast %add3A_335 : i32 to index
      %get3A_339 = tpu.vector_load %arg6[%get3A_337, %get3A_338] {strides = array<i32>} : memref<2x8192xf32, #tpu.memory_space<vmem>>, vector<16xf32>,
      %get3A_340 = arith.constant 0 : i32
      %get3A_341 = arith.index_cast %get3A_340 : i32 to index
      %get3A_342 = arith.index_cast %add3A_335 : i32 to index
      %get3A_343 = tpu.vector_load %arg7[%get3A_341, %get3A_342] {strides = array<i32>} : memref<2x8192xi32, #tpu.memory_space<vmem>>, vector<16xi32>,
      %eq3A_344 = arith.constant 1 : i32
      %eq3A_345 = vector.broadcast %eq3A_344 : i32 to vector<16xi32>
      %eq3A_346 = arith.cmpi eq, %get3A_343, %eq3A_345 : vector<16xi32>
      %sub3A_347 = arith.constant 1.000000e+00 : f32
      %sub3A_348 = vector.broadcast %sub3A_347 : f32 to vector<16xf32>
      %sub3A_349 = arith.subf %sub3A_348, %get3A_339 : vector<16xf32>
      %select_n3A_350 = arith.select %eq3A_346, %get3A_339, %sub3A_349 : vector<16xi1>, vector<16xf32>
      %max3A_351 = arith.constant 9.99999974E-5 : f32
      %max3A_352 = vector.broadcast %max3A_351 : f32 to vector<16xf32>
      %max3A_353 = arith.maximumf %select_n3A_350, %max3A_352 : vector<16xf32>
      %bitcast_convert_type3A_354 = tpu.bitcast %max3A_353 : vector<16xf32> -> vector<16xi32>
      %shift_right_logical3A_355 = arith.constant 15 : i32
      %shift_right_logical3A_356 = vector.broadcast %shift_right_logical3A_355 : i32 to vector<16xi32>
      %shift_right_logical3A_357 = arith.shrui %bitcast_convert_type3A_354, %shift_right_logical3A_356 : vector<16xi32>
      %sub3A_358 = arith.constant 28928 : i32
      %sub3A_359 = vector.broadcast %sub3A_358 : i32 to vector<16xi32>
      %sub3A_360 = arith.subi %shift_right_logical3A_357, %sub3A_359 : vector<16xi32>
      %gather3A_361 = tpu.vector_load_idx %arg8[%sub3A_360] : memref<3600xf32, #tpu.memory_space<vmem>>[vector<16xi32>], vector<16xf32>,
      %select_n3A_362 = arith.select %eq3A_346, %sub3A_349, %get3A_339 : vector<16xi1>, vector<16xf32>
      %jit3A_363 = arith.constant 2.500000e-01 : f32
      %jit3A_364 = arith.constant 7.500000e-01 : f32
      %broadcast_in_dim3A_365 = vector.broadcast %jit3A_363 : f32 to vector<16xf32>
      %broadcast_in_dim3A_366 = vector.broadcast %jit3A_364 : f32 to vector<16xf32>
      %select_n3A_367 = arith.select %eq3A_346, %broadcast_in_dim3A_365, %broadcast_in_dim3A_366 : vector<16xi1>, vector<16xf32>
      %mul3A_368 = arith.mulf %select_n3A_362, %select_n3A_362 : vector<16xf32>
      %mul3A_369 = arith.mulf %select_n3A_367, %mul3A_368 : vector<16xf32>
      %mul3A_370 = arith.mulf %mul3A_369, %gather3A_361 : vector<16xf32>
      %add3A_371 = arith.addf %scan3A_148, %mul3A_370 : vector<16xf32>
      %add3A_372 = arith.constant 96 : i32
      %add3A_373 = arith.addi %mul3A_152, %add3A_372 : i32
      %get3A_374 = arith.constant 0 : i32
      %get3A_375 = arith.index_cast %get3A_374 : i32 to index
      %get3A_376 = arith.index_cast %add3A_373 : i32 to index
      %get3A_377 = tpu.vector_load %arg6[%get3A_375, %get3A_376] {strides = array<i32>} : memref<2x8192xf32, #tpu.memory_space<vmem>>, vector<16xf32>,
      %get3A_378 = arith.constant 0 : i32
      %get3A_379 = arith.index_cast %get3A_378 : i32 to index
      %get3A_380 = arith.index_cast %add3A_373 : i32 to index
      %get3A_381 = tpu.vector_load %arg7[%get3A_379, %get3A_380] {strides = array<i32>} : memref<2x8192xi32, #tpu.memory_space<vmem>>, vector<16xi32>,
      %eq3A_382 = arith.constant 1 : i32
      %eq3A_383 = vector.broadcast %eq3A_382 : i32 to vector<16xi32>
      %eq3A_384 = arith.cmpi eq, %get3A_381, %eq3A_383 : vector<16xi32>
      %sub3A_385 = arith.constant 1.000000e+00 : f32
      %sub3A_386 = vector.broadcast %sub3A_385 : f32 to vector<16xf32>
      %sub3A_387 = arith.subf %sub3A_386, %get3A_377 : vector<16xf32>
      %select_n3A_388 = arith.select %eq3A_384, %get3A_377, %sub3A_387 : vector<16xi1>, vector<16xf32>
      %max3A_389 = arith.constant 9.99999974E-5 : f32
      %max3A_390 = vector.broadcast %max3A_389 : f32 to vector<16xf32>
      %max3A_391 = arith.maximumf %select_n3A_388, %max3A_390 : vector<16xf32>
      %bitcast_convert_type3A_392 = tpu.bitcast %max3A_391 : vector<16xf32> -> vector<16xi32>
      %shift_right_logical3A_393 = arith.constant 15 : i32
      %shift_right_logical3A_394 = vector.broadcast %shift_right_logical3A_393 : i32 to vector<16xi32>
      %shift_right_logical3A_395 = arith.shrui %bitcast_convert_type3A_392, %shift_right_logical3A_394 : vector<16xi32>
      %sub3A_396 = arith.constant 28928 : i32
      %sub3A_397 = vector.broadcast %sub3A_396 : i32 to vector<16xi32>
      %sub3A_398 = arith.subi %shift_right_logical3A_395, %sub3A_397 : vector<16xi32>
      %gather3A_399 = tpu.vector_load_idx %arg8[%sub3A_398] : memref<3600xf32, #tpu.memory_space<vmem>>[vector<16xi32>], vector<16xf32>,
      %select_n3A_400 = arith.select %eq3A_384, %sub3A_387, %get3A_377 : vector<16xi1>, vector<16xf32>
      %jit3A_401 = arith.constant 2.500000e-01 : f32
      %jit3A_402 = arith.constant 7.500000e-01 : f32
      %broadcast_in_dim3A_403 = vector.broadcast %jit3A_401 : f32 to vector<16xf32>
      %broadcast_in_dim3A_404 = vector.broadcast %jit3A_402 : f32 to vector<16xf32>
      %select_n3A_405 = arith.select %eq3A_384, %broadcast_in_dim3A_403, %broadcast_in_dim3A_404 : vector<16xi1>, vector<16xf32>
      %mul3A_406 = arith.mulf %select_n3A_400, %select_n3A_400 : vector<16xf32>
      %mul3A_407 = arith.mulf %select_n3A_405, %mul3A_406 : vector<16xf32>
      %mul3A_408 = arith.mulf %mul3A_407, %gather3A_399 : vector<16xf32>
      %add3A_409 = arith.addf %scan3A_149, %mul3A_408 : vector<16xf32>
      %add3A_410 = arith.constant 112 : i32
      %add3A_411 = arith.addi %mul3A_152, %add3A_410 : i32
      %get3A_412 = arith.constant 0 : i32
      %get3A_413 = arith.index_cast %get3A_412 : i32 to index
      %get3A_414 = arith.index_cast %add3A_411 : i32 to index
      %get3A_415 = tpu.vector_load %arg6[%get3A_413, %get3A_414] {strides = array<i32>} : memref<2x8192xf32, #tpu.memory_space<vmem>>, vector<16xf32>,
      %get3A_416 = arith.constant 0 : i32
      %get3A_417 = arith.index_cast %get3A_416 : i32 to index
      %get3A_418 = arith.index_cast %add3A_411 : i32 to index
      %get3A_419 = tpu.vector_load %arg7[%get3A_417, %get3A_418] {strides = array<i32>} : memref<2x8192xi32, #tpu.memory_space<vmem>>, vector<16xi32>,
      %eq3A_420 = arith.constant 1 : i32
      %eq3A_421 = vector.broadcast %eq3A_420 : i32 to vector<16xi32>
      %eq3A_422 = arith.cmpi eq, %get3A_419, %eq3A_421 : vector<16xi32>
      %sub3A_423 = arith.constant 1.000000e+00 : f32
      %sub3A_424 = vector.broadcast %sub3A_423 : f32 to vector<16xf32>
      %sub3A_425 = arith.subf %sub3A_424, %get3A_415 : vector<16xf32>
      %select_n3A_426 = arith.select %eq3A_422, %get3A_415, %sub3A_425 : vector<16xi1>, vector<16xf32>
      %max3A_427 = arith.constant 9.99999974E-5 : f32
      %max3A_428 = vector.broadcast %max3A_427 : f32 to vector<16xf32>
      %max3A_429 = arith.maximumf %select_n3A_426, %max3A_428 : vector<16xf32>
      %bitcast_convert_type3A_430 = tpu.bitcast %max3A_429 : vector<16xf32> -> vector<16xi32>
      %shift_right_logical3A_431 = arith.constant 15 : i32
      %shift_right_logical3A_432 = vector.broadcast %shift_right_logical3A_431 : i32 to vector<16xi32>
      %shift_right_logical3A_433 = arith.shrui %bitcast_convert_type3A_430, %shift_right_logical3A_432 : vector<16xi32>
      %sub3A_434 = arith.constant 28928 : i32
      %sub3A_435 = vector.broadcast %sub3A_434 : i32 to vector<16xi32>
      %sub3A_436 = arith.subi %shift_right_logical3A_433, %sub3A_435 : vector<16xi32>
      %gather3A_437 = tpu.vector_load_idx %arg8[%sub3A_436] : memref<3600xf32, #tpu.memory_space<vmem>>[vector<16xi32>], vector<16xf32>,
      %select_n3A_438 = arith.select %eq3A_422, %sub3A_425, %get3A_415 : vector<16xi1>, vector<16xf32>
      %jit3A_439 = arith.constant 2.500000e-01 : f32
      %jit3A_440 = arith.constant 7.500000e-01 : f32
      %broadcast_in_dim3A_441 = vector.broadcast %jit3A_439 : f32 to vector<16xf32>
      %broadcast_in_dim3A_442 = vector.broadcast %jit3A_440 : f32 to vector<16xf32>
      %select_n3A_443 = arith.select %eq3A_422, %broadcast_in_dim3A_441, %broadcast_in_dim3A_442 : vector<16xi1>, vector<16xf32>
      %mul3A_444 = arith.mulf %select_n3A_438, %select_n3A_438 : vector<16xf32>
      %mul3A_445 = arith.mulf %select_n3A_443, %mul3A_444 : vector<16xf32>
      %mul3A_446 = arith.mulf %mul3A_445, %gather3A_437 : vector<16xf32>
      %add3A_447 = arith.addf %scan3A_150, %mul3A_446 : vector<16xf32>
      scf.yield %add3A_181, %add3A_219, %add3A_257, %add3A_295, %add3A_333, %add3A_371, %add3A_409, %add3A_447 : vector<16xf32>, vector<16xf32>, vector<16xf32>, vector<16xf32>, vector<16xf32>, vector<16xf32>, vector<16xf32>, vector<16xf32>
    }
    %scan3A_83 = arith.constant 64 : i32
    %mul3A_84 = arith.constant 2 : i32
    %mul3A_85 = arith.muli %scan3A, %mul3A_84 : i32
    %add3A_86 = arith.constant 0 : i32
    %add3A_87 = arith.addi %mul3A_85, %add3A_86 : i32
    %add3A_88 = arith.constant 2 : i32
    %add3A_89 = arith.addi %add3A_87, %add3A_88 : i32
    %lt3A = arith.constant 2 : i32
    %lt3A_90 = arith.cmpi slt, %add3A_89, %lt3A : i32
    %convert_element_type3A = arith.extui %lt3A_90 : i1 to i32
    %cond3A = arith.constant 0 : i32
    %cond3A_91 = arith.cmpi ne, %convert_element_type3A, %cond3A : i32
    scf.if %cond3A_91 {
      %mul3A_142 = arith.constant 8192 : i32
      %mul3A_143 = arith.muli %add3A_89, %mul3A_142 : i32
      %add3A_144 = arith.addi %mul3A_2, %mul3A_143 : i32
      %dma_start3A_145 = arith.constant 0 : i32
      %dma_start3A_146 = arith.constant 0 : i32
      %dma_start3A_147 = tpu.memref_slice %arg6[%dma_start3A_145, %dma_start3A_146] : memref<2x8192xf32, #tpu.memory_space<vmem>> -> memref<1x8192xf32, #tpu.memory_space<vmem>>
      %dma_start3A_148 = tpu.memref_squeeze %dma_start3A_147 : memref<1x8192xf32, #tpu.memory_space<vmem>> -> memref<8192xf32, #tpu.memory_space<vmem>>
      %dma_start3A_149 = tpu.memref_slice %arg2[%add3A_144] : memref<2097152xf32, #tpu.memory_space<hbm>> -> memref<8192xf32, #tpu.memory_space<hbm>>
      %dma_start3A_150 = arith.constant 0 : i32
      %dma_start3A_151 = tpu.memref_slice %arg6[%dma_start3A_145, %dma_start3A_150] : memref<2x8192xf32, #tpu.memory_space<vmem>> -> memref<1x8192xf32, #tpu.memory_space<vmem>>
      %dma_start3A_152 = tpu.memref_squeeze %dma_start3A_151 : memref<1x8192xf32, #tpu.memory_space<vmem>> -> memref<8192xf32, #tpu.memory_space<vmem>>
      %dma_start3A_153 = tpu.memref_slice %arg2[%add3A_144] : memref<2097152xf32, #tpu.memory_space<hbm>> -> memref<8192xf32, #tpu.memory_space<hbm>>
      tpu.enqueue_dma source(%dma_start3A_153 : memref<8192xf32, #tpu.memory_space<hbm>>) target(%dma_start3A_152 : memref<8192xf32, #tpu.memory_space<vmem>>) target_semaphore(%arg10 : memref<!tpu.dma_semaphore, #tpu.memory_space<semaphore_mem>>)
      %dma_start3A_154 = arith.constant 0 : i32
      %dma_start3A_155 = arith.constant 0 : i32
      %dma_start3A_156 = tpu.memref_slice %arg7[%dma_start3A_154, %dma_start3A_155] : memref<2x8192xi32, #tpu.memory_space<vmem>> -> memref<1x8192xi32, #tpu.memory_space<vmem>>
      %dma_start3A_157 = tpu.memref_squeeze %dma_start3A_156 : memref<1x8192xi32, #tpu.memory_space<vmem>> -> memref<8192xi32, #tpu.memory_space<vmem>>
      %dma_start3A_158 = tpu.memref_slice %arg3[%add3A_144] : memref<2097152xi32, #tpu.memory_space<hbm>> -> memref<8192xi32, #tpu.memory_space<hbm>>
      %dma_start3A_159 = arith.constant 0 : i32
      %dma_start3A_160 = tpu.memref_slice %arg7[%dma_start3A_154, %dma_start3A_159] : memref<2x8192xi32, #tpu.memory_space<vmem>> -> memref<1x8192xi32, #tpu.memory_space<vmem>>
      %dma_start3A_161 = tpu.memref_squeeze %dma_start3A_160 : memref<1x8192xi32, #tpu.memory_space<vmem>> -> memref<8192xi32, #tpu.memory_space<vmem>>
      %dma_start3A_162 = tpu.memref_slice %arg3[%add3A_144] : memref<2097152xi32, #tpu.memory_space<hbm>> -> memref<8192xi32, #tpu.memory_space<hbm>>
      tpu.enqueue_dma source(%dma_start3A_162 : memref<8192xi32, #tpu.memory_space<hbm>>) target(%dma_start3A_161 : memref<8192xi32, #tpu.memory_space<vmem>>) target_semaphore(%arg12 : memref<!tpu.dma_semaphore, #tpu.memory_space<semaphore_mem>>)
    } else {
    }
    %dma_wait3A_92 = arith.constant 1 : i32
    %dma_wait3A_93 = arith.constant 0 : i32
    %dma_wait3A_94 = tpu.memref_slice %arg6[%dma_wait3A_92, %dma_wait3A_93] : memref<2x8192xf32, #tpu.memory_space<vmem>> -> memref<1x8192xf32, #tpu.memory_space<vmem>>
    %dma_wait3A_95 = tpu.memref_squeeze %dma_wait3A_94 : memref<1x8192xf32, #tpu.memory_space<vmem>> -> memref<8192xf32, #tpu.memory_space<vmem>>
    %dma_wait3A_96 = arith.constant 0 : i32
    %dma_wait3A_97 = tpu.memref_slice %arg2[%dma_wait3A_96] : memref<2097152xf32, #tpu.memory_space<hbm>> -> memref<8192xf32, #tpu.memory_space<hbm>>
    %dma_wait3A_98 = arith.constant 0 : i32
    %dma_wait3A_99 = tpu.memref_slice %arg6[%dma_wait3A_92, %dma_wait3A_98] : memref<2x8192xf32, #tpu.memory_space<vmem>> -> memref<1x8192xf32, #tpu.memory_space<vmem>>
    %dma_wait3A_100 = tpu.memref_squeeze %dma_wait3A_99 : memref<1x8192xf32, #tpu.memory_space<vmem>> -> memref<8192xf32, #tpu.memory_space<vmem>>
    %dma_wait3A_101 = arith.constant 0 : i32
    %dma_wait3A_102 = tpu.memref_slice %arg2[%dma_wait3A_101] : memref<2097152xf32, #tpu.memory_space<hbm>> -> memref<8192xf32, #tpu.memory_space<hbm>>
    tpu.wait_dma2 semaphore(%arg11 : memref<!tpu.dma_semaphore, #tpu.memory_space<semaphore_mem>>) src(%dma_wait3A_102 : memref<8192xf32, #tpu.memory_space<hbm>>) dst(%dma_wait3A_100 : memref<8192xf32, #tpu.memory_space<vmem>>)
    %dma_wait3A_103 = arith.constant 1 : i32
    %dma_wait3A_104 = arith.constant 0 : i32
    %dma_wait3A_105 = tpu.memref_slice %arg7[%dma_wait3A_103, %dma_wait3A_104] : memref<2x8192xi32, #tpu.memory_space<vmem>> -> memref<1x8192xi32, #tpu.memory_space<vmem>>
    %dma_wait3A_106 = tpu.memref_squeeze %dma_wait3A_105 : memref<1x8192xi32, #tpu.memory_space<vmem>> -> memref<8192xi32, #tpu.memory_space<vmem>>
    %dma_wait3A_107 = arith.constant 0 : i32
    %dma_wait3A_108 = tpu.memref_slice %arg3[%dma_wait3A_107] : memref<2097152xi32, #tpu.memory_space<hbm>> -> memref<8192xi32, #tpu.memory_space<hbm>>
    %dma_wait3A_109 = arith.constant 0 : i32
    %dma_wait3A_110 = tpu.memref_slice %arg7[%dma_wait3A_103, %dma_wait3A_109] : memref<2x8192xi32, #tpu.memory_space<vmem>> -> memref<1x8192xi32, #tpu.memory_space<vmem>>
    %dma_wait3A_111 = tpu.memref_squeeze %dma_wait3A_110 : memref<1x8192xi32, #tpu.memory_space<vmem>> -> memref<8192xi32, #tpu.memory_space<vmem>>
    %dma_wait3A_112 = arith.constant 0 : i32
    %dma_wait3A_113 = tpu.memref_slice %arg3[%dma_wait3A_112] : memref<2097152xi32, #tpu.memory_space<hbm>> -> memref<8192xi32, #tpu.memory_space<hbm>>
    tpu.wait_dma2 semaphore(%arg13 : memref<!tpu.dma_semaphore, #tpu.memory_space<semaphore_mem>>) src(%dma_wait3A_113 : memref<8192xi32, #tpu.memory_space<hbm>>) dst(%dma_wait3A_111 : memref<8192xi32, #tpu.memory_space<vmem>>)
    %scan3A_114 = arith.constant 0 : i32
    %scan3A_115 = arith.constant 64 : i32
    %scan3A_116 = arith.addi %scan3A_114, %scan3A_115 : i32
    %scan3A_117 = arith.constant 1 : i32
    %scan3A_118:8 = scf.for %scan3A_142 = %scan3A_114 to %scan3A_116 step %scan3A_117 iter_args(%scan3A_143 = %scan3A_82#0, %scan3A_144 = %scan3A_82#1, %scan3A_145 = %scan3A_82#2, %scan3A_146 = %scan3A_82#3, %scan3A_147 = %scan3A_82#4, %scan3A_148 = %scan3A_82#5, %scan3A_149 = %scan3A_82#6, %scan3A_150 = %scan3A_82#7) -> (vector<16xf32>, vector<16xf32>, vector<16xf32>, vector<16xf32>, vector<16xf32>, vector<16xf32>, vector<16xf32>, vector<16xf32>)  : i32 {
      %mul3A_151 = arith.constant 128 : i32
      %mul3A_152 = arith.muli %scan3A_142, %mul3A_151 : i32
      %add3A_153 = arith.constant 0 : i32
      %add3A_154 = arith.addi %mul3A_152, %add3A_153 : i32
      %get3A = arith.constant 1 : i32
      %get3A_155 = arith.index_cast %get3A : i32 to index
      %get3A_156 = arith.index_cast %add3A_154 : i32 to index
      %get3A_157 = tpu.vector_load %arg6[%get3A_155, %get3A_156] {strides = array<i32>} : memref<2x8192xf32, #tpu.memory_space<vmem>>, vector<16xf32>,
      %get3A_158 = arith.constant 1 : i32
      %get3A_159 = arith.index_cast %get3A_158 : i32 to index
      %get3A_160 = arith.index_cast %add3A_154 : i32 to index
      %get3A_161 = tpu.vector_load %arg7[%get3A_159, %get3A_160] {strides = array<i32>} : memref<2x8192xi32, #tpu.memory_space<vmem>>, vector<16xi32>,
      %eq3A = arith.constant 1 : i32
      %eq3A_162 = vector.broadcast %eq3A : i32 to vector<16xi32>
      %eq3A_163 = arith.cmpi eq, %get3A_161, %eq3A_162 : vector<16xi32>
      %sub3A = arith.constant 1.000000e+00 : f32
      %sub3A_164 = vector.broadcast %sub3A : f32 to vector<16xf32>
      %sub3A_165 = arith.subf %sub3A_164, %get3A_157 : vector<16xf32>
      %select_n3A = arith.select %eq3A_163, %get3A_157, %sub3A_165 : vector<16xi1>, vector<16xf32>
      %max3A = arith.constant 9.99999974E-5 : f32
      %max3A_166 = vector.broadcast %max3A : f32 to vector<16xf32>
      %max3A_167 = arith.maximumf %select_n3A, %max3A_166 : vector<16xf32>
      %bitcast_convert_type3A = tpu.bitcast %max3A_167 : vector<16xf32> -> vector<16xi32>
      %shift_right_logical3A = arith.constant 15 : i32
      %shift_right_logical3A_168 = vector.broadcast %shift_right_logical3A : i32 to vector<16xi32>
      %shift_right_logical3A_169 = arith.shrui %bitcast_convert_type3A, %shift_right_logical3A_168 : vector<16xi32>
      %sub3A_170 = arith.constant 28928 : i32
      %sub3A_171 = vector.broadcast %sub3A_170 : i32 to vector<16xi32>
      %sub3A_172 = arith.subi %shift_right_logical3A_169, %sub3A_171 : vector<16xi32>
      %gather3A = tpu.vector_load_idx %arg8[%sub3A_172] : memref<3600xf32, #tpu.memory_space<vmem>>[vector<16xi32>], vector<16xf32>,
      %select_n3A_173 = arith.select %eq3A_163, %sub3A_165, %get3A_157 : vector<16xi1>, vector<16xf32>
      %jit3A = arith.constant 2.500000e-01 : f32
      %jit3A_174 = arith.constant 7.500000e-01 : f32
      %broadcast_in_dim3A_175 = vector.broadcast %jit3A : f32 to vector<16xf32>
      %broadcast_in_dim3A_176 = vector.broadcast %jit3A_174 : f32 to vector<16xf32>
      %select_n3A_177 = arith.select %eq3A_163, %broadcast_in_dim3A_175, %broadcast_in_dim3A_176 : vector<16xi1>, vector<16xf32>
      %mul3A_178 = arith.mulf %select_n3A_173, %select_n3A_173 : vector<16xf32>
      %mul3A_179 = arith.mulf %select_n3A_177, %mul3A_178 : vector<16xf32>
      %mul3A_180 = arith.mulf %mul3A_179, %gather3A : vector<16xf32>
      %add3A_181 = arith.addf %scan3A_143, %mul3A_180 : vector<16xf32>
      %add3A_182 = arith.constant 16 : i32
      %add3A_183 = arith.addi %mul3A_152, %add3A_182 : i32
      %get3A_184 = arith.constant 1 : i32
      %get3A_185 = arith.index_cast %get3A_184 : i32 to index
      %get3A_186 = arith.index_cast %add3A_183 : i32 to index
      %get3A_187 = tpu.vector_load %arg6[%get3A_185, %get3A_186] {strides = array<i32>} : memref<2x8192xf32, #tpu.memory_space<vmem>>, vector<16xf32>,
      %get3A_188 = arith.constant 1 : i32
      %get3A_189 = arith.index_cast %get3A_188 : i32 to index
      %get3A_190 = arith.index_cast %add3A_183 : i32 to index
      %get3A_191 = tpu.vector_load %arg7[%get3A_189, %get3A_190] {strides = array<i32>} : memref<2x8192xi32, #tpu.memory_space<vmem>>, vector<16xi32>,
      %eq3A_192 = arith.constant 1 : i32
      %eq3A_193 = vector.broadcast %eq3A_192 : i32 to vector<16xi32>
      %eq3A_194 = arith.cmpi eq, %get3A_191, %eq3A_193 : vector<16xi32>
      %sub3A_195 = arith.constant 1.000000e+00 : f32
      %sub3A_196 = vector.broadcast %sub3A_195 : f32 to vector<16xf32>
      %sub3A_197 = arith.subf %sub3A_196, %get3A_187 : vector<16xf32>
      %select_n3A_198 = arith.select %eq3A_194, %get3A_187, %sub3A_197 : vector<16xi1>, vector<16xf32>
      %max3A_199 = arith.constant 9.99999974E-5 : f32
      %max3A_200 = vector.broadcast %max3A_199 : f32 to vector<16xf32>
      %max3A_201 = arith.maximumf %select_n3A_198, %max3A_200 : vector<16xf32>
      %bitcast_convert_type3A_202 = tpu.bitcast %max3A_201 : vector<16xf32> -> vector<16xi32>
      %shift_right_logical3A_203 = arith.constant 15 : i32
      %shift_right_logical3A_204 = vector.broadcast %shift_right_logical3A_203 : i32 to vector<16xi32>
      %shift_right_logical3A_205 = arith.shrui %bitcast_convert_type3A_202, %shift_right_logical3A_204 : vector<16xi32>
      %sub3A_206 = arith.constant 28928 : i32
      %sub3A_207 = vector.broadcast %sub3A_206 : i32 to vector<16xi32>
      %sub3A_208 = arith.subi %shift_right_logical3A_205, %sub3A_207 : vector<16xi32>
      %gather3A_209 = tpu.vector_load_idx %arg8[%sub3A_208] : memref<3600xf32, #tpu.memory_space<vmem>>[vector<16xi32>], vector<16xf32>,
      %select_n3A_210 = arith.select %eq3A_194, %sub3A_197, %get3A_187 : vector<16xi1>, vector<16xf32>
      %jit3A_211 = arith.constant 2.500000e-01 : f32
      %jit3A_212 = arith.constant 7.500000e-01 : f32
      %broadcast_in_dim3A_213 = vector.broadcast %jit3A_211 : f32 to vector<16xf32>
      %broadcast_in_dim3A_214 = vector.broadcast %jit3A_212 : f32 to vector<16xf32>
      %select_n3A_215 = arith.select %eq3A_194, %broadcast_in_dim3A_213, %broadcast_in_dim3A_214 : vector<16xi1>, vector<16xf32>
      %mul3A_216 = arith.mulf %select_n3A_210, %select_n3A_210 : vector<16xf32>
      %mul3A_217 = arith.mulf %select_n3A_215, %mul3A_216 : vector<16xf32>
      %mul3A_218 = arith.mulf %mul3A_217, %gather3A_209 : vector<16xf32>
      %add3A_219 = arith.addf %scan3A_144, %mul3A_218 : vector<16xf32>
      %add3A_220 = arith.constant 32 : i32
      %add3A_221 = arith.addi %mul3A_152, %add3A_220 : i32
      %get3A_222 = arith.constant 1 : i32
      %get3A_223 = arith.index_cast %get3A_222 : i32 to index
      %get3A_224 = arith.index_cast %add3A_221 : i32 to index
      %get3A_225 = tpu.vector_load %arg6[%get3A_223, %get3A_224] {strides = array<i32>} : memref<2x8192xf32, #tpu.memory_space<vmem>>, vector<16xf32>,
      %get3A_226 = arith.constant 1 : i32
      %get3A_227 = arith.index_cast %get3A_226 : i32 to index
      %get3A_228 = arith.index_cast %add3A_221 : i32 to index
      %get3A_229 = tpu.vector_load %arg7[%get3A_227, %get3A_228] {strides = array<i32>} : memref<2x8192xi32, #tpu.memory_space<vmem>>, vector<16xi32>,
      %eq3A_230 = arith.constant 1 : i32
      %eq3A_231 = vector.broadcast %eq3A_230 : i32 to vector<16xi32>
      %eq3A_232 = arith.cmpi eq, %get3A_229, %eq3A_231 : vector<16xi32>
      %sub3A_233 = arith.constant 1.000000e+00 : f32
      %sub3A_234 = vector.broadcast %sub3A_233 : f32 to vector<16xf32>
      %sub3A_235 = arith.subf %sub3A_234, %get3A_225 : vector<16xf32>
      %select_n3A_236 = arith.select %eq3A_232, %get3A_225, %sub3A_235 : vector<16xi1>, vector<16xf32>
      %max3A_237 = arith.constant 9.99999974E-5 : f32
      %max3A_238 = vector.broadcast %max3A_237 : f32 to vector<16xf32>
      %max3A_239 = arith.maximumf %select_n3A_236, %max3A_238 : vector<16xf32>
      %bitcast_convert_type3A_240 = tpu.bitcast %max3A_239 : vector<16xf32> -> vector<16xi32>
      %shift_right_logical3A_241 = arith.constant 15 : i32
      %shift_right_logical3A_242 = vector.broadcast %shift_right_logical3A_241 : i32 to vector<16xi32>
      %shift_right_logical3A_243 = arith.shrui %bitcast_convert_type3A_240, %shift_right_logical3A_242 : vector<16xi32>
      %sub3A_244 = arith.constant 28928 : i32
      %sub3A_245 = vector.broadcast %sub3A_244 : i32 to vector<16xi32>
      %sub3A_246 = arith.subi %shift_right_logical3A_243, %sub3A_245 : vector<16xi32>
      %gather3A_247 = tpu.vector_load_idx %arg8[%sub3A_246] : memref<3600xf32, #tpu.memory_space<vmem>>[vector<16xi32>], vector<16xf32>,
      %select_n3A_248 = arith.select %eq3A_232, %sub3A_235, %get3A_225 : vector<16xi1>, vector<16xf32>
      %jit3A_249 = arith.constant 2.500000e-01 : f32
      %jit3A_250 = arith.constant 7.500000e-01 : f32
      %broadcast_in_dim3A_251 = vector.broadcast %jit3A_249 : f32 to vector<16xf32>
      %broadcast_in_dim3A_252 = vector.broadcast %jit3A_250 : f32 to vector<16xf32>
      %select_n3A_253 = arith.select %eq3A_232, %broadcast_in_dim3A_251, %broadcast_in_dim3A_252 : vector<16xi1>, vector<16xf32>
      %mul3A_254 = arith.mulf %select_n3A_248, %select_n3A_248 : vector<16xf32>
      %mul3A_255 = arith.mulf %select_n3A_253, %mul3A_254 : vector<16xf32>
      %mul3A_256 = arith.mulf %mul3A_255, %gather3A_247 : vector<16xf32>
      %add3A_257 = arith.addf %scan3A_145, %mul3A_256 : vector<16xf32>
      %add3A_258 = arith.constant 48 : i32
      %add3A_259 = arith.addi %mul3A_152, %add3A_258 : i32
      %get3A_260 = arith.constant 1 : i32
      %get3A_261 = arith.index_cast %get3A_260 : i32 to index
      %get3A_262 = arith.index_cast %add3A_259 : i32 to index
      %get3A_263 = tpu.vector_load %arg6[%get3A_261, %get3A_262] {strides = array<i32>} : memref<2x8192xf32, #tpu.memory_space<vmem>>, vector<16xf32>,
      %get3A_264 = arith.constant 1 : i32
      %get3A_265 = arith.index_cast %get3A_264 : i32 to index
      %get3A_266 = arith.index_cast %add3A_259 : i32 to index
      %get3A_267 = tpu.vector_load %arg7[%get3A_265, %get3A_266] {strides = array<i32>} : memref<2x8192xi32, #tpu.memory_space<vmem>>, vector<16xi32>,
      %eq3A_268 = arith.constant 1 : i32
      %eq3A_269 = vector.broadcast %eq3A_268 : i32 to vector<16xi32>
      %eq3A_270 = arith.cmpi eq, %get3A_267, %eq3A_269 : vector<16xi32>
      %sub3A_271 = arith.constant 1.000000e+00 : f32
      %sub3A_272 = vector.broadcast %sub3A_271 : f32 to vector<16xf32>
      %sub3A_273 = arith.subf %sub3A_272, %get3A_263 : vector<16xf32>
      %select_n3A_274 = arith.select %eq3A_270, %get3A_263, %sub3A_273 : vector<16xi1>, vector<16xf32>
      %max3A_275 = arith.constant 9.99999974E-5 : f32
      %max3A_276 = vector.broadcast %max3A_275 : f32 to vector<16xf32>
      %max3A_277 = arith.maximumf %select_n3A_274, %max3A_276 : vector<16xf32>
      %bitcast_convert_type3A_278 = tpu.bitcast %max3A_277 : vector<16xf32> -> vector<16xi32>
      %shift_right_logical3A_279 = arith.constant 15 : i32
      %shift_right_logical3A_280 = vector.broadcast %shift_right_logical3A_279 : i32 to vector<16xi32>
      %shift_right_logical3A_281 = arith.shrui %bitcast_convert_type3A_278, %shift_right_logical3A_280 : vector<16xi32>
      %sub3A_282 = arith.constant 28928 : i32
      %sub3A_283 = vector.broadcast %sub3A_282 : i32 to vector<16xi32>
      %sub3A_284 = arith.subi %shift_right_logical3A_281, %sub3A_283 : vector<16xi32>
      %gather3A_285 = tpu.vector_load_idx %arg8[%sub3A_284] : memref<3600xf32, #tpu.memory_space<vmem>>[vector<16xi32>], vector<16xf32>,
      %select_n3A_286 = arith.select %eq3A_270, %sub3A_273, %get3A_263 : vector<16xi1>, vector<16xf32>
      %jit3A_287 = arith.constant 2.500000e-01 : f32
      %jit3A_288 = arith.constant 7.500000e-01 : f32
      %broadcast_in_dim3A_289 = vector.broadcast %jit3A_287 : f32 to vector<16xf32>
      %broadcast_in_dim3A_290 = vector.broadcast %jit3A_288 : f32 to vector<16xf32>
      %select_n3A_291 = arith.select %eq3A_270, %broadcast_in_dim3A_289, %broadcast_in_dim3A_290 : vector<16xi1>, vector<16xf32>
      %mul3A_292 = arith.mulf %select_n3A_286, %select_n3A_286 : vector<16xf32>
      %mul3A_293 = arith.mulf %select_n3A_291, %mul3A_292 : vector<16xf32>
      %mul3A_294 = arith.mulf %mul3A_293, %gather3A_285 : vector<16xf32>
      %add3A_295 = arith.addf %scan3A_146, %mul3A_294 : vector<16xf32>
      %add3A_296 = arith.constant 64 : i32
      %add3A_297 = arith.addi %mul3A_152, %add3A_296 : i32
      %get3A_298 = arith.constant 1 : i32
      %get3A_299 = arith.index_cast %get3A_298 : i32 to index
      %get3A_300 = arith.index_cast %add3A_297 : i32 to index
      %get3A_301 = tpu.vector_load %arg6[%get3A_299, %get3A_300] {strides = array<i32>} : memref<2x8192xf32, #tpu.memory_space<vmem>>, vector<16xf32>,
      %get3A_302 = arith.constant 1 : i32
      %get3A_303 = arith.index_cast %get3A_302 : i32 to index
      %get3A_304 = arith.index_cast %add3A_297 : i32 to index
      %get3A_305 = tpu.vector_load %arg7[%get3A_303, %get3A_304] {strides = array<i32>} : memref<2x8192xi32, #tpu.memory_space<vmem>>, vector<16xi32>,
      %eq3A_306 = arith.constant 1 : i32
      %eq3A_307 = vector.broadcast %eq3A_306 : i32 to vector<16xi32>
      %eq3A_308 = arith.cmpi eq, %get3A_305, %eq3A_307 : vector<16xi32>
      %sub3A_309 = arith.constant 1.000000e+00 : f32
      %sub3A_310 = vector.broadcast %sub3A_309 : f32 to vector<16xf32>
      %sub3A_311 = arith.subf %sub3A_310, %get3A_301 : vector<16xf32>
      %select_n3A_312 = arith.select %eq3A_308, %get3A_301, %sub3A_311 : vector<16xi1>, vector<16xf32>
      %max3A_313 = arith.constant 9.99999974E-5 : f32
      %max3A_314 = vector.broadcast %max3A_313 : f32 to vector<16xf32>
      %max3A_315 = arith.maximumf %select_n3A_312, %max3A_314 : vector<16xf32>
      %bitcast_convert_type3A_316 = tpu.bitcast %max3A_315 : vector<16xf32> -> vector<16xi32>
      %shift_right_logical3A_317 = arith.constant 15 : i32
      %shift_right_logical3A_318 = vector.broadcast %shift_right_logical3A_317 : i32 to vector<16xi32>
      %shift_right_logical3A_319 = arith.shrui %bitcast_convert_type3A_316, %shift_right_logical3A_318 : vector<16xi32>
      %sub3A_320 = arith.constant 28928 : i32
      %sub3A_321 = vector.broadcast %sub3A_320 : i32 to vector<16xi32>
      %sub3A_322 = arith.subi %shift_right_logical3A_319, %sub3A_321 : vector<16xi32>
      %gather3A_323 = tpu.vector_load_idx %arg8[%sub3A_322] : memref<3600xf32, #tpu.memory_space<vmem>>[vector<16xi32>], vector<16xf32>,
      %select_n3A_324 = arith.select %eq3A_308, %sub3A_311, %get3A_301 : vector<16xi1>, vector<16xf32>
      %jit3A_325 = arith.constant 2.500000e-01 : f32
      %jit3A_326 = arith.constant 7.500000e-01 : f32
      %broadcast_in_dim3A_327 = vector.broadcast %jit3A_325 : f32 to vector<16xf32>
      %broadcast_in_dim3A_328 = vector.broadcast %jit3A_326 : f32 to vector<16xf32>
      %select_n3A_329 = arith.select %eq3A_308, %broadcast_in_dim3A_327, %broadcast_in_dim3A_328 : vector<16xi1>, vector<16xf32>
      %mul3A_330 = arith.mulf %select_n3A_324, %select_n3A_324 : vector<16xf32>
      %mul3A_331 = arith.mulf %select_n3A_329, %mul3A_330 : vector<16xf32>
      %mul3A_332 = arith.mulf %mul3A_331, %gather3A_323 : vector<16xf32>
      %add3A_333 = arith.addf %scan3A_147, %mul3A_332 : vector<16xf32>
      %add3A_334 = arith.constant 80 : i32
      %add3A_335 = arith.addi %mul3A_152, %add3A_334 : i32
      %get3A_336 = arith.constant 1 : i32
      %get3A_337 = arith.index_cast %get3A_336 : i32 to index
      %get3A_338 = arith.index_cast %add3A_335 : i32 to index
      %get3A_339 = tpu.vector_load %arg6[%get3A_337, %get3A_338] {strides = array<i32>} : memref<2x8192xf32, #tpu.memory_space<vmem>>, vector<16xf32>,
      %get3A_340 = arith.constant 1 : i32
      %get3A_341 = arith.index_cast %get3A_340 : i32 to index
      %get3A_342 = arith.index_cast %add3A_335 : i32 to index
      %get3A_343 = tpu.vector_load %arg7[%get3A_341, %get3A_342] {strides = array<i32>} : memref<2x8192xi32, #tpu.memory_space<vmem>>, vector<16xi32>,
      %eq3A_344 = arith.constant 1 : i32
      %eq3A_345 = vector.broadcast %eq3A_344 : i32 to vector<16xi32>
      %eq3A_346 = arith.cmpi eq, %get3A_343, %eq3A_345 : vector<16xi32>
      %sub3A_347 = arith.constant 1.000000e+00 : f32
      %sub3A_348 = vector.broadcast %sub3A_347 : f32 to vector<16xf32>
      %sub3A_349 = arith.subf %sub3A_348, %get3A_339 : vector<16xf32>
      %select_n3A_350 = arith.select %eq3A_346, %get3A_339, %sub3A_349 : vector<16xi1>, vector<16xf32>
      %max3A_351 = arith.constant 9.99999974E-5 : f32
      %max3A_352 = vector.broadcast %max3A_351 : f32 to vector<16xf32>
      %max3A_353 = arith.maximumf %select_n3A_350, %max3A_352 : vector<16xf32>
      %bitcast_convert_type3A_354 = tpu.bitcast %max3A_353 : vector<16xf32> -> vector<16xi32>
      %shift_right_logical3A_355 = arith.constant 15 : i32
      %shift_right_logical3A_356 = vector.broadcast %shift_right_logical3A_355 : i32 to vector<16xi32>
      %shift_right_logical3A_357 = arith.shrui %bitcast_convert_type3A_354, %shift_right_logical3A_356 : vector<16xi32>
      %sub3A_358 = arith.constant 28928 : i32
      %sub3A_359 = vector.broadcast %sub3A_358 : i32 to vector<16xi32>
      %sub3A_360 = arith.subi %shift_right_logical3A_357, %sub3A_359 : vector<16xi32>
      %gather3A_361 = tpu.vector_load_idx %arg8[%sub3A_360] : memref<3600xf32, #tpu.memory_space<vmem>>[vector<16xi32>], vector<16xf32>,
      %select_n3A_362 = arith.select %eq3A_346, %sub3A_349, %get3A_339 : vector<16xi1>, vector<16xf32>
      %jit3A_363 = arith.constant 2.500000e-01 : f32
      %jit3A_364 = arith.constant 7.500000e-01 : f32
      %broadcast_in_dim3A_365 = vector.broadcast %jit3A_363 : f32 to vector<16xf32>
      %broadcast_in_dim3A_366 = vector.broadcast %jit3A_364 : f32 to vector<16xf32>
      %select_n3A_367 = arith.select %eq3A_346, %broadcast_in_dim3A_365, %broadcast_in_dim3A_366 : vector<16xi1>, vector<16xf32>
      %mul3A_368 = arith.mulf %select_n3A_362, %select_n3A_362 : vector<16xf32>
      %mul3A_369 = arith.mulf %select_n3A_367, %mul3A_368 : vector<16xf32>
      %mul3A_370 = arith.mulf %mul3A_369, %gather3A_361 : vector<16xf32>
      %add3A_371 = arith.addf %scan3A_148, %mul3A_370 : vector<16xf32>
      %add3A_372 = arith.constant 96 : i32
      %add3A_373 = arith.addi %mul3A_152, %add3A_372 : i32
      %get3A_374 = arith.constant 1 : i32
      %get3A_375 = arith.index_cast %get3A_374 : i32 to index
      %get3A_376 = arith.index_cast %add3A_373 : i32 to index
      %get3A_377 = tpu.vector_load %arg6[%get3A_375, %get3A_376] {strides = array<i32>} : memref<2x8192xf32, #tpu.memory_space<vmem>>, vector<16xf32>,
      %get3A_378 = arith.constant 1 : i32
      %get3A_379 = arith.index_cast %get3A_378 : i32 to index
      %get3A_380 = arith.index_cast %add3A_373 : i32 to index
      %get3A_381 = tpu.vector_load %arg7[%get3A_379, %get3A_380] {strides = array<i32>} : memref<2x8192xi32, #tpu.memory_space<vmem>>, vector<16xi32>,
      %eq3A_382 = arith.constant 1 : i32
      %eq3A_383 = vector.broadcast %eq3A_382 : i32 to vector<16xi32>
      %eq3A_384 = arith.cmpi eq, %get3A_381, %eq3A_383 : vector<16xi32>
      %sub3A_385 = arith.constant 1.000000e+00 : f32
      %sub3A_386 = vector.broadcast %sub3A_385 : f32 to vector<16xf32>
      %sub3A_387 = arith.subf %sub3A_386, %get3A_377 : vector<16xf32>
      %select_n3A_388 = arith.select %eq3A_384, %get3A_377, %sub3A_387 : vector<16xi1>, vector<16xf32>
      %max3A_389 = arith.constant 9.99999974E-5 : f32
      %max3A_390 = vector.broadcast %max3A_389 : f32 to vector<16xf32>
      %max3A_391 = arith.maximumf %select_n3A_388, %max3A_390 : vector<16xf32>
      %bitcast_convert_type3A_392 = tpu.bitcast %max3A_391 : vector<16xf32> -> vector<16xi32>
      %shift_right_logical3A_393 = arith.constant 15 : i32
      %shift_right_logical3A_394 = vector.broadcast %shift_right_logical3A_393 : i32 to vector<16xi32>
      %shift_right_logical3A_395 = arith.shrui %bitcast_convert_type3A_392, %shift_right_logical3A_394 : vector<16xi32>
      %sub3A_396 = arith.constant 28928 : i32
      %sub3A_397 = vector.broadcast %sub3A_396 : i32 to vector<16xi32>
      %sub3A_398 = arith.subi %shift_right_logical3A_395, %sub3A_397 : vector<16xi32>
      %gather3A_399 = tpu.vector_load_idx %arg8[%sub3A_398] : memref<3600xf32, #tpu.memory_space<vmem>>[vector<16xi32>], vector<16xf32>,
      %select_n3A_400 = arith.select %eq3A_384, %sub3A_387, %get3A_377 : vector<16xi1>, vector<16xf32>
      %jit3A_401 = arith.constant 2.500000e-01 : f32
      %jit3A_402 = arith.constant 7.500000e-01 : f32
      %broadcast_in_dim3A_403 = vector.broadcast %jit3A_401 : f32 to vector<16xf32>
      %broadcast_in_dim3A_404 = vector.broadcast %jit3A_402 : f32 to vector<16xf32>
      %select_n3A_405 = arith.select %eq3A_384, %broadcast_in_dim3A_403, %broadcast_in_dim3A_404 : vector<16xi1>, vector<16xf32>
      %mul3A_406 = arith.mulf %select_n3A_400, %select_n3A_400 : vector<16xf32>
      %mul3A_407 = arith.mulf %select_n3A_405, %mul3A_406 : vector<16xf32>
      %mul3A_408 = arith.mulf %mul3A_407, %gather3A_399 : vector<16xf32>
      %add3A_409 = arith.addf %scan3A_149, %mul3A_408 : vector<16xf32>
      %add3A_410 = arith.constant 112 : i32
      %add3A_411 = arith.addi %mul3A_152, %add3A_410 : i32
      %get3A_412 = arith.constant 1 : i32
      %get3A_413 = arith.index_cast %get3A_412 : i32 to index
      %get3A_414 = arith.index_cast %add3A_411 : i32 to index
      %get3A_415 = tpu.vector_load %arg6[%get3A_413, %get3A_414] {strides = array<i32>} : memref<2x8192xf32, #tpu.memory_space<vmem>>, vector<16xf32>,
      %get3A_416 = arith.constant 1 : i32
      %get3A_417 = arith.index_cast %get3A_416 : i32 to index
      %get3A_418 = arith.index_cast %add3A_411 : i32 to index
      %get3A_419 = tpu.vector_load %arg7[%get3A_417, %get3A_418] {strides = array<i32>} : memref<2x8192xi32, #tpu.memory_space<vmem>>, vector<16xi32>,
      %eq3A_420 = arith.constant 1 : i32
      %eq3A_421 = vector.broadcast %eq3A_420 : i32 to vector<16xi32>
      %eq3A_422 = arith.cmpi eq, %get3A_419, %eq3A_421 : vector<16xi32>
      %sub3A_423 = arith.constant 1.000000e+00 : f32
      %sub3A_424 = vector.broadcast %sub3A_423 : f32 to vector<16xf32>
      %sub3A_425 = arith.subf %sub3A_424, %get3A_415 : vector<16xf32>
      %select_n3A_426 = arith.select %eq3A_422, %get3A_415, %sub3A_425 : vector<16xi1>, vector<16xf32>
      %max3A_427 = arith.constant 9.99999974E-5 : f32
      %max3A_428 = vector.broadcast %max3A_427 : f32 to vector<16xf32>
      %max3A_429 = arith.maximumf %select_n3A_426, %max3A_428 : vector<16xf32>
      %bitcast_convert_type3A_430 = tpu.bitcast %max3A_429 : vector<16xf32> -> vector<16xi32>
      %shift_right_logical3A_431 = arith.constant 15 : i32
      %shift_right_logical3A_432 = vector.broadcast %shift_right_logical3A_431 : i32 to vector<16xi32>
      %shift_right_logical3A_433 = arith.shrui %bitcast_convert_type3A_430, %shift_right_logical3A_432 : vector<16xi32>
      %sub3A_434 = arith.constant 28928 : i32
      %sub3A_435 = vector.broadcast %sub3A_434 : i32 to vector<16xi32>
      %sub3A_436 = arith.subi %shift_right_logical3A_433, %sub3A_435 : vector<16xi32>
      %gather3A_437 = tpu.vector_load_idx %arg8[%sub3A_436] : memref<3600xf32, #tpu.memory_space<vmem>>[vector<16xi32>], vector<16xf32>,
      %select_n3A_438 = arith.select %eq3A_422, %sub3A_425, %get3A_415 : vector<16xi1>, vector<16xf32>
      %jit3A_439 = arith.constant 2.500000e-01 : f32
      %jit3A_440 = arith.constant 7.500000e-01 : f32
      %broadcast_in_dim3A_441 = vector.broadcast %jit3A_439 : f32 to vector<16xf32>
      %broadcast_in_dim3A_442 = vector.broadcast %jit3A_440 : f32 to vector<16xf32>
      %select_n3A_443 = arith.select %eq3A_422, %broadcast_in_dim3A_441, %broadcast_in_dim3A_442 : vector<16xi1>, vector<16xf32>
      %mul3A_444 = arith.mulf %select_n3A_438, %select_n3A_438 : vector<16xf32>
      %mul3A_445 = arith.mulf %select_n3A_443, %mul3A_444 : vector<16xf32>
      %mul3A_446 = arith.mulf %mul3A_445, %gather3A_437 : vector<16xf32>
      %add3A_447 = arith.addf %scan3A_150, %mul3A_446 : vector<16xf32>
      scf.yield %add3A_181, %add3A_219, %add3A_257, %add3A_295, %add3A_333, %add3A_371, %add3A_409, %add3A_447 : vector<16xf32>, vector<16xf32>, vector<16xf32>, vector<16xf32>, vector<16xf32>, vector<16xf32>, vector<16xf32>, vector<16xf32>
    }
    %scan3A_119 = arith.constant 64 : i32
    %mul3A_120 = arith.constant 2 : i32
    %mul3A_121 = arith.muli %scan3A, %mul3A_120 : i32
    %add3A_122 = arith.constant 1 : i32
    %add3A_123 = arith.addi %mul3A_121, %add3A_122 : i32
    %add3A_124 = arith.constant 2 : i32
    %add3A_125 = arith.addi %add3A_123, %add3A_124 : i32
    %lt3A_126 = arith.constant 2 : i32
    %lt3A_127 = arith.cmpi slt, %add3A_125, %lt3A_126 : i32
    %convert_element_type3A_128 = arith.extui %lt3A_127 : i1 to i32
    %cond3A_129 = arith.constant 0 : i32
    %cond3A_130 = arith.cmpi ne, %convert_element_type3A_128, %cond3A_129 : i32
    scf.if %cond3A_130 {
      %mul3A_142 = arith.constant 8192 : i32
      %mul3A_143 = arith.muli %add3A_125, %mul3A_142 : i32
      %add3A_144 = arith.addi %mul3A_2, %mul3A_143 : i32
      %dma_start3A_145 = arith.constant 1 : i32
      %dma_start3A_146 = arith.constant 0 : i32
      %dma_start3A_147 = tpu.memref_slice %arg6[%dma_start3A_145, %dma_start3A_146] : memref<2x8192xf32, #tpu.memory_space<vmem>> -> memref<1x8192xf32, #tpu.memory_space<vmem>>
      %dma_start3A_148 = tpu.memref_squeeze %dma_start3A_147 : memref<1x8192xf32, #tpu.memory_space<vmem>> -> memref<8192xf32, #tpu.memory_space<vmem>>
      %dma_start3A_149 = tpu.memref_slice %arg2[%add3A_144] : memref<2097152xf32, #tpu.memory_space<hbm>> -> memref<8192xf32, #tpu.memory_space<hbm>>
      %dma_start3A_150 = arith.constant 0 : i32
      %dma_start3A_151 = tpu.memref_slice %arg6[%dma_start3A_145, %dma_start3A_150] : memref<2x8192xf32, #tpu.memory_space<vmem>> -> memref<1x8192xf32, #tpu.memory_space<vmem>>
      %dma_start3A_152 = tpu.memref_squeeze %dma_start3A_151 : memref<1x8192xf32, #tpu.memory_space<vmem>> -> memref<8192xf32, #tpu.memory_space<vmem>>
      %dma_start3A_153 = tpu.memref_slice %arg2[%add3A_144] : memref<2097152xf32, #tpu.memory_space<hbm>> -> memref<8192xf32, #tpu.memory_space<hbm>>
      tpu.enqueue_dma source(%dma_start3A_153 : memref<8192xf32, #tpu.memory_space<hbm>>) target(%dma_start3A_152 : memref<8192xf32, #tpu.memory_space<vmem>>) target_semaphore(%arg11 : memref<!tpu.dma_semaphore, #tpu.memory_space<semaphore_mem>>)
      %dma_start3A_154 = arith.constant 1 : i32
      %dma_start3A_155 = arith.constant 0 : i32
      %dma_start3A_156 = tpu.memref_slice %arg7[%dma_start3A_154, %dma_start3A_155] : memref<2x8192xi32, #tpu.memory_space<vmem>> -> memref<1x8192xi32, #tpu.memory_space<vmem>>
      %dma_start3A_157 = tpu.memref_squeeze %dma_start3A_156 : memref<1x8192xi32, #tpu.memory_space<vmem>> -> memref<8192xi32, #tpu.memory_space<vmem>>
      %dma_start3A_158 = tpu.memref_slice %arg3[%add3A_144] : memref<2097152xi32, #tpu.memory_space<hbm>> -> memref<8192xi32, #tpu.memory_space<hbm>>
      %dma_start3A_159 = arith.constant 0 : i32
      %dma_start3A_160 = tpu.memref_slice %arg7[%dma_start3A_154, %dma_start3A_159] : memref<2x8192xi32, #tpu.memory_space<vmem>> -> memref<1x8192xi32, #tpu.memory_space<vmem>>
      %dma_start3A_161 = tpu.memref_squeeze %dma_start3A_160 : memref<1x8192xi32, #tpu.memory_space<vmem>> -> memref<8192xi32, #tpu.memory_space<vmem>>
      %dma_start3A_162 = tpu.memref_slice %arg3[%add3A_144] : memref<2097152xi32, #tpu.memory_space<hbm>> -> memref<8192xi32, #tpu.memory_space<hbm>>
      tpu.enqueue_dma source(%dma_start3A_162 : memref<8192xi32, #tpu.memory_space<hbm>>) target(%dma_start3A_161 : memref<8192xi32, #tpu.memory_space<vmem>>) target_semaphore(%arg13 : memref<!tpu.dma_semaphore, #tpu.memory_space<semaphore_mem>>)
    } else {
    }
    %scan3A_131 = arith.constant 1 : i32
    %add3A_132 = arith.addf %scan3A_118#0, %scan3A_118#1 : vector<16xf32>
    %add3A_133 = arith.addf %add3A_132, %scan3A_118#2 : vector<16xf32>
    %add3A_134 = arith.addf %add3A_133, %scan3A_118#3 : vector<16xf32>
    %add3A_135 = arith.addf %add3A_134, %scan3A_118#4 : vector<16xf32>
    %add3A_136 = arith.addf %add3A_135, %scan3A_118#5 : vector<16xf32>
    %add3A_137 = arith.addf %add3A_136, %scan3A_118#6 : vector<16xf32>
    %add3A_138 = arith.addf %add3A_137, %scan3A_118#7 : vector<16xf32>
    %swap3A = arith.constant 0 : index
    %swap3A_139 = tpu.vector_load %arg9[%swap3A] {strides = array<i32>} : memref<16xf32, #tpu.memory_space<vmem>>, vector<16xf32>,
    tpu.vector_store %arg9[%swap3A], %add3A_138 {strides = array<i32>} : memref<16xf32, #tpu.memory_space<vmem>>, vector<16xf32>,
    %mul3A_140 = arith.constant 16 : i32
    %mul3A_141 = arith.muli %add3A, %mul3A_140 : i32
    "tpu.region"() ({
      %run_scoped3A = tpu.sem_alloc : memref<!tpu.dma_semaphore, #tpu.memory_space<semaphore_mem>>
      %dma_start3A_142 = tpu.memref_slice %arg5[%mul3A_141] : memref<512xf32, #tpu.memory_space<hbm>> -> memref<16xf32, #tpu.memory_space<hbm>>
      %dma_start3A_143 = tpu.memref_slice %arg5[%mul3A_141] : memref<512xf32, #tpu.memory_space<hbm>> -> memref<16xf32, #tpu.memory_space<hbm>>
      tpu.enqueue_dma source(%arg9 : memref<16xf32, #tpu.memory_space<vmem>>) target(%dma_start3A_143 : memref<16xf32, #tpu.memory_space<hbm>>) target_semaphore(%run_scoped3A : memref<!tpu.dma_semaphore, #tpu.memory_space<semaphore_mem>>)
      %dma_wait3A_144 = tpu.memref_slice %arg5[%mul3A_141] : memref<512xf32, #tpu.memory_space<hbm>> -> memref<16xf32, #tpu.memory_space<hbm>>
      %dma_wait3A_145 = tpu.memref_slice %arg5[%mul3A_141] : memref<512xf32, #tpu.memory_space<hbm>> -> memref<16xf32, #tpu.memory_space<hbm>>
      tpu.wait_dma2 semaphore(%run_scoped3A : memref<!tpu.dma_semaphore, #tpu.memory_space<semaphore_mem>>) src(%arg9 : memref<16xf32, #tpu.memory_space<vmem>>) dst(%dma_wait3A_145 : memref<16xf32, #tpu.memory_space<hbm>>)
      tpu.yield
    }) : () -> ()
    return
  }
}

module attributes {stable_mosaic.version = 14 : i64} {
  func.func @_finish(%arg0: memref<4x128xf32, #tpu.memory_space<vmem>>, %arg1: memref<1x1xf32, #tpu.memory_space<smem>>, %arg2: memref<1x1xf32, #tpu.memory_space<smem>>) attributes {dimension_semantics = [], scalar_prefetch = 0 : i64, scratch_operands = 0 : i64, tpu.core_type = #tpu.core_type<tc>} {
    %get3A = arith.constant 0 : index
    %get3A_0 = arith.constant 0 : index
    %get3A_1 = vector.load %arg0[%get3A, %get3A_0] : memref<4x128xf32, #tpu.memory_space<vmem>>, vector<4x128xf32>
    %reduce_sum3A = vector.shape_cast %get3A_1 : vector<4x128xf32> to vector<1x4x128xf32>
    %reduce_sum3A_2 = arith.constant dense<0.000000e+00> : vector<1xf32>
    %reduce_sum3A_3 = vector.multi_reduction <add>, %reduce_sum3A, %reduce_sum3A_2 [1, 2] : vector<1x4x128xf32> to vector<1xf32>
    %reduce_sum3A_4 = vector.shape_cast %reduce_sum3A_3 : vector<1xf32> to vector<1x1x1xf32>
    %reduce_sum3A_5 = vector.extract %reduce_sum3A_4[0, 0, 0] : f32 from vector<1x1x1xf32>
    %get3A_6 = arith.constant 0 : index
    %get3A_7 = arith.constant 0 : index
    %get3A_8 = memref.load %arg1[%get3A_6, %get3A_7] : memref<1x1xf32, #tpu.memory_space<smem>>
    %add3A = arith.addf %reduce_sum3A_5, %get3A_8 : f32
    %mul3A = arith.constant -4.76837158E-7 : f32
    %mul3A_9 = arith.mulf %add3A, %mul3A : f32
    %swap3A = arith.constant 0 : index
    %swap3A_10 = arith.constant 0 : index
    %swap3A_11 = memref.load %arg2[%swap3A, %swap3A_10] : memref<1x1xf32, #tpu.memory_space<smem>>
    memref.store %mul3A_9, %arg2[%swap3A, %swap3A_10] : memref<1x1xf32, #tpu.memory_space<smem>>
    return
  }
}

module attributes {stable_mosaic.version = 14 : i64} {
  func.func @_tc_part(%arg0: memref<2097152xf32, #tpu.memory_space<any>>, %arg1: memref<2097152xi32, #tpu.memory_space<any>>, %arg2: memref<1x1xf32, #tpu.memory_space<smem>>, %arg3: memref<2x262144xf32, #tpu.memory_space<vmem>>, %arg4: memref<2x262144xi32, #tpu.memory_space<vmem>>, %arg5: memref<!tpu.dma_semaphore, #tpu.memory_space<semaphore_mem>>, %arg6: memref<!tpu.dma_semaphore, #tpu.memory_space<semaphore_mem>>) attributes {dimension_semantics = [], scalar_prefetch = 0 : i64, scratch_operands = 4 : i64, tpu.core_type = #tpu.core_type<tc>} {
    %dma_start3A = arith.constant 0 : i32
    %dma_start3A_0 = arith.constant 0 : i32
    %dma_start3A_1 = tpu.memref_slice %arg3[%dma_start3A, %dma_start3A_0] : memref<2x262144xf32, #tpu.memory_space<vmem>> -> memref<1x262144xf32, #tpu.memory_space<vmem>>
    %dma_start3A_2 = tpu.memref_squeeze %dma_start3A_1 : memref<1x262144xf32, #tpu.memory_space<vmem>> -> memref<262144xf32, #tpu.memory_space<vmem>>
    %dma_start3A_3 = arith.constant 524288 : i32
    %dma_start3A_4 = tpu.memref_slice %arg0[%dma_start3A_3] : memref<2097152xf32, #tpu.memory_space<any>> -> memref<262144xf32, #tpu.memory_space<any>>
    tpu.enqueue_dma source(%dma_start3A_4 : memref<262144xf32, #tpu.memory_space<any>>) target(%dma_start3A_2 : memref<262144xf32, #tpu.memory_space<vmem>>) target_semaphore(%arg5 : memref<!tpu.dma_semaphore, #tpu.memory_space<semaphore_mem>>)
    %dma_start3A_5 = arith.constant 0 : i32
    %dma_start3A_6 = arith.constant 0 : i32
    %dma_start3A_7 = tpu.memref_slice %arg4[%dma_start3A_5, %dma_start3A_6] : memref<2x262144xi32, #tpu.memory_space<vmem>> -> memref<1x262144xi32, #tpu.memory_space<vmem>>
    %dma_start3A_8 = tpu.memref_squeeze %dma_start3A_7 : memref<1x262144xi32, #tpu.memory_space<vmem>> -> memref<262144xi32, #tpu.memory_space<vmem>>
    %dma_start3A_9 = arith.constant 524288 : i32
    %dma_start3A_10 = tpu.memref_slice %arg1[%dma_start3A_9] : memref<2097152xi32, #tpu.memory_space<any>> -> memref<262144xi32, #tpu.memory_space<any>>
    tpu.enqueue_dma source(%dma_start3A_10 : memref<262144xi32, #tpu.memory_space<any>>) target(%dma_start3A_8 : memref<262144xi32, #tpu.memory_space<vmem>>) target_semaphore(%arg5 : memref<!tpu.dma_semaphore, #tpu.memory_space<semaphore_mem>>)
    %broadcast_in_dim3A = arith.constant 0.000000e+00 : f32
    %broadcast_in_dim3A_11 = vector.broadcast %broadcast_in_dim3A : f32 to vector<256x1024xf32>
    %dma_start3A_12 = arith.constant 1 : i32
    %dma_start3A_13 = arith.constant 0 : i32
    %dma_start3A_14 = tpu.memref_slice %arg3[%dma_start3A_12, %dma_start3A_13] : memref<2x262144xf32, #tpu.memory_space<vmem>> -> memref<1x262144xf32, #tpu.memory_space<vmem>>
    %dma_start3A_15 = tpu.memref_squeeze %dma_start3A_14 : memref<1x262144xf32, #tpu.memory_space<vmem>> -> memref<262144xf32, #tpu.memory_space<vmem>>
    %dma_start3A_16 = arith.constant 786432 : i32
    %dma_start3A_17 = tpu.memref_slice %arg0[%dma_start3A_16] : memref<2097152xf32, #tpu.memory_space<any>> -> memref<262144xf32, #tpu.memory_space<any>>
    tpu.enqueue_dma source(%dma_start3A_17 : memref<262144xf32, #tpu.memory_space<any>>) target(%dma_start3A_15 : memref<262144xf32, #tpu.memory_space<vmem>>) target_semaphore(%arg6 : memref<!tpu.dma_semaphore, #tpu.memory_space<semaphore_mem>>)
    %dma_start3A_18 = arith.constant 1 : i32
    %dma_start3A_19 = arith.constant 0 : i32
    %dma_start3A_20 = tpu.memref_slice %arg4[%dma_start3A_18, %dma_start3A_19] : memref<2x262144xi32, #tpu.memory_space<vmem>> -> memref<1x262144xi32, #tpu.memory_space<vmem>>
    %dma_start3A_21 = tpu.memref_squeeze %dma_start3A_20 : memref<1x262144xi32, #tpu.memory_space<vmem>> -> memref<262144xi32, #tpu.memory_space<vmem>>
    %dma_start3A_22 = arith.constant 786432 : i32
    %dma_start3A_23 = tpu.memref_slice %arg1[%dma_start3A_22] : memref<2097152xi32, #tpu.memory_space<any>> -> memref<262144xi32, #tpu.memory_space<any>>
    tpu.enqueue_dma source(%dma_start3A_23 : memref<262144xi32, #tpu.memory_space<any>>) target(%dma_start3A_21 : memref<262144xi32, #tpu.memory_space<vmem>>) target_semaphore(%arg6 : memref<!tpu.dma_semaphore, #tpu.memory_space<semaphore_mem>>)
    %dma_wait3A = arith.constant 0 : i32
    %dma_wait3A_24 = arith.constant 0 : i32
    %dma_wait3A_25 = tpu.memref_slice %arg3[%dma_wait3A, %dma_wait3A_24] : memref<2x262144xf32, #tpu.memory_space<vmem>> -> memref<1x262144xf32, #tpu.memory_space<vmem>>
    %dma_wait3A_26 = tpu.memref_squeeze %dma_wait3A_25 : memref<1x262144xf32, #tpu.memory_space<vmem>> -> memref<262144xf32, #tpu.memory_space<vmem>>
    %dma_wait3A_27 = arith.constant 524288 : i32
    %dma_wait3A_28 = tpu.memref_slice %arg0[%dma_wait3A_27] : memref<2097152xf32, #tpu.memory_space<any>> -> memref<262144xf32, #tpu.memory_space<any>>
    tpu.wait_dma2 semaphore(%arg5 : memref<!tpu.dma_semaphore, #tpu.memory_space<semaphore_mem>>) src(%dma_wait3A_28 : memref<262144xf32, #tpu.memory_space<any>>) dst(%dma_wait3A_26 : memref<262144xf32, #tpu.memory_space<vmem>>)
    %dma_wait3A_29 = arith.constant 0 : i32
    %dma_wait3A_30 = arith.constant 0 : i32
    %dma_wait3A_31 = tpu.memref_slice %arg4[%dma_wait3A_29, %dma_wait3A_30] : memref<2x262144xi32, #tpu.memory_space<vmem>> -> memref<1x262144xi32, #tpu.memory_space<vmem>>
    %dma_wait3A_32 = tpu.memref_squeeze %dma_wait3A_31 : memref<1x262144xi32, #tpu.memory_space<vmem>> -> memref<262144xi32, #tpu.memory_space<vmem>>
    %dma_wait3A_33 = arith.constant 524288 : i32
    %dma_wait3A_34 = tpu.memref_slice %arg1[%dma_wait3A_33] : memref<2097152xi32, #tpu.memory_space<any>> -> memref<262144xi32, #tpu.memory_space<any>>
    tpu.wait_dma2 semaphore(%arg5 : memref<!tpu.dma_semaphore, #tpu.memory_space<semaphore_mem>>) src(%dma_wait3A_34 : memref<262144xi32, #tpu.memory_space<any>>) dst(%dma_wait3A_32 : memref<262144xi32, #tpu.memory_space<vmem>>)
    %get3A = arith.constant 0 : index
    %get3A_35 = arith.constant 0 : index
    %get3A_36 = vector.load %arg3[%get3A, %get3A_35] : memref<2x262144xf32, #tpu.memory_space<vmem>>, vector<1x262144xf32>
    %get3A_37 = vector.shape_cast %get3A_36 : vector<1x262144xf32> to vector<262144xf32>
    %reshape3A = vector.shape_cast %get3A_37 : vector<262144xf32> to vector<256x1024xf32>
    %get3A_38 = arith.constant 0 : index
    %get3A_39 = arith.constant 0 : index
    %get3A_40 = vector.load %arg4[%get3A_38, %get3A_39] : memref<2x262144xi32, #tpu.memory_space<vmem>>, vector<1x262144xi32>
    %get3A_41 = vector.shape_cast %get3A_40 : vector<1x262144xi32> to vector<262144xi32>
    %reshape3A_42 = vector.shape_cast %get3A_41 : vector<262144xi32> to vector<256x1024xi32>
    %convert_element_type3A = arith.sitofp %reshape3A_42 : vector<256x1024xi32> to vector<256x1024xf32>
    %mul3A = arith.constant 2.000000e+00 : f32
    %mul3A_43 = vector.broadcast %mul3A : f32 to vector<256x1024xf32>
    %mul3A_44 = arith.mulf %mul3A_43, %reshape3A : vector<256x1024xf32>
    %sub3A = arith.constant 1.000000e+00 : f32
    %sub3A_45 = vector.broadcast %sub3A : f32 to vector<256x1024xf32>
    %sub3A_46 = arith.subf %mul3A_44, %sub3A_45 : vector<256x1024xf32>
    %mul3A_47 = arith.mulf %convert_element_type3A, %sub3A_46 : vector<256x1024xf32>
    %sub3A_48 = arith.constant 1.000000e+00 : f32
    %sub3A_49 = vector.broadcast %sub3A_48 : f32 to vector<256x1024xf32>
    %sub3A_50 = arith.subf %sub3A_49, %reshape3A : vector<256x1024xf32>
    %add3A = arith.addf %sub3A_50, %mul3A_47 : vector<256x1024xf32>
    %max3A = arith.constant 9.99999974E-5 : f32
    %max3A_51 = vector.broadcast %max3A : f32 to vector<256x1024xf32>
    %max3A_52 = arith.maximumf %add3A, %max3A_51 : vector<256x1024xf32>
    %sub3A_53 = arith.subf %reshape3A, %mul3A_47 : vector<256x1024xf32>
    %mul3A_54 = arith.constant 5.000000e-01 : f32
    %mul3A_55 = vector.broadcast %mul3A_54 : f32 to vector<256x1024xf32>
    %mul3A_56 = arith.mulf %mul3A_55, %convert_element_type3A : vector<256x1024xf32>
    %sub3A_57 = arith.constant 7.500000e-01 : f32
    %sub3A_58 = vector.broadcast %sub3A_57 : f32 to vector<256x1024xf32>
    %sub3A_59 = arith.subf %sub3A_58, %mul3A_56 : vector<256x1024xf32>
    %mul3A_60 = arith.mulf %sub3A_53, %sub3A_53 : vector<256x1024xf32>
    %mul3A_61 = arith.mulf %sub3A_59, %mul3A_60 : vector<256x1024xf32>
    %log3A = math.log %max3A_52 : vector<256x1024xf32>
    %mul3A_62 = arith.mulf %mul3A_61, %log3A : vector<256x1024xf32>
    %add3A_63 = arith.addf %broadcast_in_dim3A_11, %mul3A_62 : vector<256x1024xf32>
    %dma_start3A_64 = arith.constant 0 : i32
    %dma_start3A_65 = arith.constant 0 : i32
    %dma_start3A_66 = tpu.memref_slice %arg3[%dma_start3A_64, %dma_start3A_65] : memref<2x262144xf32, #tpu.memory_space<vmem>> -> memref<1x262144xf32, #tpu.memory_space<vmem>>
    %dma_start3A_67 = tpu.memref_squeeze %dma_start3A_66 : memref<1x262144xf32, #tpu.memory_space<vmem>> -> memref<262144xf32, #tpu.memory_space<vmem>>
    %dma_start3A_68 = arith.constant 1048576 : i32
    %dma_start3A_69 = tpu.memref_slice %arg0[%dma_start3A_68] : memref<2097152xf32, #tpu.memory_space<any>> -> memref<262144xf32, #tpu.memory_space<any>>
    tpu.enqueue_dma source(%dma_start3A_69 : memref<262144xf32, #tpu.memory_space<any>>) target(%dma_start3A_67 : memref<262144xf32, #tpu.memory_space<vmem>>) target_semaphore(%arg5 : memref<!tpu.dma_semaphore, #tpu.memory_space<semaphore_mem>>)
    %dma_start3A_70 = arith.constant 0 : i32
    %dma_start3A_71 = arith.constant 0 : i32
    %dma_start3A_72 = tpu.memref_slice %arg4[%dma_start3A_70, %dma_start3A_71] : memref<2x262144xi32, #tpu.memory_space<vmem>> -> memref<1x262144xi32, #tpu.memory_space<vmem>>
    %dma_start3A_73 = tpu.memref_squeeze %dma_start3A_72 : memref<1x262144xi32, #tpu.memory_space<vmem>> -> memref<262144xi32, #tpu.memory_space<vmem>>
    %dma_start3A_74 = arith.constant 1048576 : i32
    %dma_start3A_75 = tpu.memref_slice %arg1[%dma_start3A_74] : memref<2097152xi32, #tpu.memory_space<any>> -> memref<262144xi32, #tpu.memory_space<any>>
    tpu.enqueue_dma source(%dma_start3A_75 : memref<262144xi32, #tpu.memory_space<any>>) target(%dma_start3A_73 : memref<262144xi32, #tpu.memory_space<vmem>>) target_semaphore(%arg5 : memref<!tpu.dma_semaphore, #tpu.memory_space<semaphore_mem>>)
    %dma_wait3A_76 = arith.constant 1 : i32
    %dma_wait3A_77 = arith.constant 0 : i32
    %dma_wait3A_78 = tpu.memref_slice %arg3[%dma_wait3A_76, %dma_wait3A_77] : memref<2x262144xf32, #tpu.memory_space<vmem>> -> memref<1x262144xf32, #tpu.memory_space<vmem>>
    %dma_wait3A_79 = tpu.memref_squeeze %dma_wait3A_78 : memref<1x262144xf32, #tpu.memory_space<vmem>> -> memref<262144xf32, #tpu.memory_space<vmem>>
    %dma_wait3A_80 = arith.constant 786432 : i32
    %dma_wait3A_81 = tpu.memref_slice %arg0[%dma_wait3A_80] : memref<2097152xf32, #tpu.memory_space<any>> -> memref<262144xf32, #tpu.memory_space<any>>
    tpu.wait_dma2 semaphore(%arg6 : memref<!tpu.dma_semaphore, #tpu.memory_space<semaphore_mem>>) src(%dma_wait3A_81 : memref<262144xf32, #tpu.memory_space<any>>) dst(%dma_wait3A_79 : memref<262144xf32, #tpu.memory_space<vmem>>)
    %dma_wait3A_82 = arith.constant 1 : i32
    %dma_wait3A_83 = arith.constant 0 : i32
    %dma_wait3A_84 = tpu.memref_slice %arg4[%dma_wait3A_82, %dma_wait3A_83] : memref<2x262144xi32, #tpu.memory_space<vmem>> -> memref<1x262144xi32, #tpu.memory_space<vmem>>
    %dma_wait3A_85 = tpu.memref_squeeze %dma_wait3A_84 : memref<1x262144xi32, #tpu.memory_space<vmem>> -> memref<262144xi32, #tpu.memory_space<vmem>>
    %dma_wait3A_86 = arith.constant 786432 : i32
    %dma_wait3A_87 = tpu.memref_slice %arg1[%dma_wait3A_86] : memref<2097152xi32, #tpu.memory_space<any>> -> memref<262144xi32, #tpu.memory_space<any>>
    tpu.wait_dma2 semaphore(%arg6 : memref<!tpu.dma_semaphore, #tpu.memory_space<semaphore_mem>>) src(%dma_wait3A_87 : memref<262144xi32, #tpu.memory_space<any>>) dst(%dma_wait3A_85 : memref<262144xi32, #tpu.memory_space<vmem>>)
    %get3A_88 = arith.constant 1 : index
    %get3A_89 = arith.constant 0 : index
    %get3A_90 = vector.load %arg3[%get3A_88, %get3A_89] : memref<2x262144xf32, #tpu.memory_space<vmem>>, vector<1x262144xf32>
    %get3A_91 = vector.shape_cast %get3A_90 : vector<1x262144xf32> to vector<262144xf32>
    %reshape3A_92 = vector.shape_cast %get3A_91 : vector<262144xf32> to vector<256x1024xf32>
    %get3A_93 = arith.constant 1 : index
    %get3A_94 = arith.constant 0 : index
    %get3A_95 = vector.load %arg4[%get3A_93, %get3A_94] : memref<2x262144xi32, #tpu.memory_space<vmem>>, vector<1x262144xi32>
    %get3A_96 = vector.shape_cast %get3A_95 : vector<1x262144xi32> to vector<262144xi32>
    %reshape3A_97 = vector.shape_cast %get3A_96 : vector<262144xi32> to vector<256x1024xi32>
    %convert_element_type3A_98 = arith.sitofp %reshape3A_97 : vector<256x1024xi32> to vector<256x1024xf32>
    %mul3A_99 = arith.constant 2.000000e+00 : f32
    %mul3A_100 = vector.broadcast %mul3A_99 : f32 to vector<256x1024xf32>
    %mul3A_101 = arith.mulf %mul3A_100, %reshape3A_92 : vector<256x1024xf32>
    %sub3A_102 = arith.constant 1.000000e+00 : f32
    %sub3A_103 = vector.broadcast %sub3A_102 : f32 to vector<256x1024xf32>
    %sub3A_104 = arith.subf %mul3A_101, %sub3A_103 : vector<256x1024xf32>
    %mul3A_105 = arith.mulf %convert_element_type3A_98, %sub3A_104 : vector<256x1024xf32>
    %sub3A_106 = arith.constant 1.000000e+00 : f32
    %sub3A_107 = vector.broadcast %sub3A_106 : f32 to vector<256x1024xf32>
    %sub3A_108 = arith.subf %sub3A_107, %reshape3A_92 : vector<256x1024xf32>
    %add3A_109 = arith.addf %sub3A_108, %mul3A_105 : vector<256x1024xf32>
    %max3A_110 = arith.constant 9.99999974E-5 : f32
    %max3A_111 = vector.broadcast %max3A_110 : f32 to vector<256x1024xf32>
    %max3A_112 = arith.maximumf %add3A_109, %max3A_111 : vector<256x1024xf32>
    %sub3A_113 = arith.subf %reshape3A_92, %mul3A_105 : vector<256x1024xf32>
    %mul3A_114 = arith.constant 5.000000e-01 : f32
    %mul3A_115 = vector.broadcast %mul3A_114 : f32 to vector<256x1024xf32>
    %mul3A_116 = arith.mulf %mul3A_115, %convert_element_type3A_98 : vector<256x1024xf32>
    %sub3A_117 = arith.constant 7.500000e-01 : f32
    %sub3A_118 = vector.broadcast %sub3A_117 : f32 to vector<256x1024xf32>
    %sub3A_119 = arith.subf %sub3A_118, %mul3A_116 : vector<256x1024xf32>
    %mul3A_120 = arith.mulf %sub3A_113, %sub3A_113 : vector<256x1024xf32>
    %mul3A_121 = arith.mulf %sub3A_119, %mul3A_120 : vector<256x1024xf32>
    %log3A_122 = math.log %max3A_112 : vector<256x1024xf32>
    %mul3A_123 = arith.mulf %mul3A_121, %log3A_122 : vector<256x1024xf32>
    %add3A_124 = arith.addf %add3A_63, %mul3A_123 : vector<256x1024xf32>
    %dma_start3A_125 = arith.constant 1 : i32
    %dma_start3A_126 = arith.constant 0 : i32
    %dma_start3A_127 = tpu.memref_slice %arg3[%dma_start3A_125, %dma_start3A_126] : memref<2x262144xf32, #tpu.memory_space<vmem>> -> memref<1x262144xf32, #tpu.memory_space<vmem>>
    %dma_start3A_128 = tpu.memref_squeeze %dma_start3A_127 : memref<1x262144xf32, #tpu.memory_space<vmem>> -> memref<262144xf32, #tpu.memory_space<vmem>>
    %dma_start3A_129 = arith.constant 1310720 : i32
    %dma_start3A_130 = tpu.memref_slice %arg0[%dma_start3A_129] : memref<2097152xf32, #tpu.memory_space<any>> -> memref<262144xf32, #tpu.memory_space<any>>
    tpu.enqueue_dma source(%dma_start3A_130 : memref<262144xf32, #tpu.memory_space<any>>) target(%dma_start3A_128 : memref<262144xf32, #tpu.memory_space<vmem>>) target_semaphore(%arg6 : memref<!tpu.dma_semaphore, #tpu.memory_space<semaphore_mem>>)
    %dma_start3A_131 = arith.constant 1 : i32
    %dma_start3A_132 = arith.constant 0 : i32
    %dma_start3A_133 = tpu.memref_slice %arg4[%dma_start3A_131, %dma_start3A_132] : memref<2x262144xi32, #tpu.memory_space<vmem>> -> memref<1x262144xi32, #tpu.memory_space<vmem>>
    %dma_start3A_134 = tpu.memref_squeeze %dma_start3A_133 : memref<1x262144xi32, #tpu.memory_space<vmem>> -> memref<262144xi32, #tpu.memory_space<vmem>>
    %dma_start3A_135 = arith.constant 1310720 : i32
    %dma_start3A_136 = tpu.memref_slice %arg1[%dma_start3A_135] : memref<2097152xi32, #tpu.memory_space<any>> -> memref<262144xi32, #tpu.memory_space<any>>
    tpu.enqueue_dma source(%dma_start3A_136 : memref<262144xi32, #tpu.memory_space<any>>) target(%dma_start3A_134 : memref<262144xi32, #tpu.memory_space<vmem>>) target_semaphore(%arg6 : memref<!tpu.dma_semaphore, #tpu.memory_space<semaphore_mem>>)
    %dma_wait3A_137 = arith.constant 0 : i32
    %dma_wait3A_138 = arith.constant 0 : i32
    %dma_wait3A_139 = tpu.memref_slice %arg3[%dma_wait3A_137, %dma_wait3A_138] : memref<2x262144xf32, #tpu.memory_space<vmem>> -> memref<1x262144xf32, #tpu.memory_space<vmem>>
    %dma_wait3A_140 = tpu.memref_squeeze %dma_wait3A_139 : memref<1x262144xf32, #tpu.memory_space<vmem>> -> memref<262144xf32, #tpu.memory_space<vmem>>
    %dma_wait3A_141 = arith.constant 1048576 : i32
    %dma_wait3A_142 = tpu.memref_slice %arg0[%dma_wait3A_141] : memref<2097152xf32, #tpu.memory_space<any>> -> memref<262144xf32, #tpu.memory_space<any>>
    tpu.wait_dma2 semaphore(%arg5 : memref<!tpu.dma_semaphore, #tpu.memory_space<semaphore_mem>>) src(%dma_wait3A_142 : memref<262144xf32, #tpu.memory_space<any>>) dst(%dma_wait3A_140 : memref<262144xf32, #tpu.memory_space<vmem>>)
    %dma_wait3A_143 = arith.constant 0 : i32
    %dma_wait3A_144 = arith.constant 0 : i32
    %dma_wait3A_145 = tpu.memref_slice %arg4[%dma_wait3A_143, %dma_wait3A_144] : memref<2x262144xi32, #tpu.memory_space<vmem>> -> memref<1x262144xi32, #tpu.memory_space<vmem>>
    %dma_wait3A_146 = tpu.memref_squeeze %dma_wait3A_145 : memref<1x262144xi32, #tpu.memory_space<vmem>> -> memref<262144xi32, #tpu.memory_space<vmem>>
    %dma_wait3A_147 = arith.constant 1048576 : i32
    %dma_wait3A_148 = tpu.memref_slice %arg1[%dma_wait3A_147] : memref<2097152xi32, #tpu.memory_space<any>> -> memref<262144xi32, #tpu.memory_space<any>>
    tpu.wait_dma2 semaphore(%arg5 : memref<!tpu.dma_semaphore, #tpu.memory_space<semaphore_mem>>) src(%dma_wait3A_148 : memref<262144xi32, #tpu.memory_space<any>>) dst(%dma_wait3A_146 : memref<262144xi32, #tpu.memory_space<vmem>>)
    %get3A_149 = arith.constant 0 : index
    %get3A_150 = arith.constant 0 : index
    %get3A_151 = vector.load %arg3[%get3A_149, %get3A_150] : memref<2x262144xf32, #tpu.memory_space<vmem>>, vector<1x262144xf32>
    %get3A_152 = vector.shape_cast %get3A_151 : vector<1x262144xf32> to vector<262144xf32>
    %reshape3A_153 = vector.shape_cast %get3A_152 : vector<262144xf32> to vector<256x1024xf32>
    %get3A_154 = arith.constant 0 : index
    %get3A_155 = arith.constant 0 : index
    %get3A_156 = vector.load %arg4[%get3A_154, %get3A_155] : memref<2x262144xi32, #tpu.memory_space<vmem>>, vector<1x262144xi32>
    %get3A_157 = vector.shape_cast %get3A_156 : vector<1x262144xi32> to vector<262144xi32>
    %reshape3A_158 = vector.shape_cast %get3A_157 : vector<262144xi32> to vector<256x1024xi32>
    %convert_element_type3A_159 = arith.sitofp %reshape3A_158 : vector<256x1024xi32> to vector<256x1024xf32>
    %mul3A_160 = arith.constant 2.000000e+00 : f32
    %mul3A_161 = vector.broadcast %mul3A_160 : f32 to vector<256x1024xf32>
    %mul3A_162 = arith.mulf %mul3A_161, %reshape3A_153 : vector<256x1024xf32>
    %sub3A_163 = arith.constant 1.000000e+00 : f32
    %sub3A_164 = vector.broadcast %sub3A_163 : f32 to vector<256x1024xf32>
    %sub3A_165 = arith.subf %mul3A_162, %sub3A_164 : vector<256x1024xf32>
    %mul3A_166 = arith.mulf %convert_element_type3A_159, %sub3A_165 : vector<256x1024xf32>
    %sub3A_167 = arith.constant 1.000000e+00 : f32
    %sub3A_168 = vector.broadcast %sub3A_167 : f32 to vector<256x1024xf32>
    %sub3A_169 = arith.subf %sub3A_168, %reshape3A_153 : vector<256x1024xf32>
    %add3A_170 = arith.addf %sub3A_169, %mul3A_166 : vector<256x1024xf32>
    %max3A_171 = arith.constant 9.99999974E-5 : f32
    %max3A_172 = vector.broadcast %max3A_171 : f32 to vector<256x1024xf32>
    %max3A_173 = arith.maximumf %add3A_170, %max3A_172 : vector<256x1024xf32>
    %sub3A_174 = arith.subf %reshape3A_153, %mul3A_166 : vector<256x1024xf32>
    %mul3A_175 = arith.constant 5.000000e-01 : f32
    %mul3A_176 = vector.broadcast %mul3A_175 : f32 to vector<256x1024xf32>
    %mul3A_177 = arith.mulf %mul3A_176, %convert_element_type3A_159 : vector<256x1024xf32>
    %sub3A_178 = arith.constant 7.500000e-01 : f32
    %sub3A_179 = vector.broadcast %sub3A_178 : f32 to vector<256x1024xf32>
    %sub3A_180 = arith.subf %sub3A_179, %mul3A_177 : vector<256x1024xf32>
    %mul3A_181 = arith.mulf %sub3A_174, %sub3A_174 : vector<256x1024xf32>
    %mul3A_182 = arith.mulf %sub3A_180, %mul3A_181 : vector<256x1024xf32>
    %log3A_183 = math.log %max3A_173 : vector<256x1024xf32>
    %mul3A_184 = arith.mulf %mul3A_182, %log3A_183 : vector<256x1024xf32>
    %add3A_185 = arith.addf %add3A_124, %mul3A_184 : vector<256x1024xf32>
    %dma_start3A_186 = arith.constant 0 : i32
    %dma_start3A_187 = arith.constant 0 : i32
    %dma_start3A_188 = tpu.memref_slice %arg3[%dma_start3A_186, %dma_start3A_187] : memref<2x262144xf32, #tpu.memory_space<vmem>> -> memref<1x262144xf32, #tpu.memory_space<vmem>>
    %dma_start3A_189 = tpu.memref_squeeze %dma_start3A_188 : memref<1x262144xf32, #tpu.memory_space<vmem>> -> memref<262144xf32, #tpu.memory_space<vmem>>
    %dma_start3A_190 = arith.constant 1572864 : i32
    %dma_start3A_191 = tpu.memref_slice %arg0[%dma_start3A_190] : memref<2097152xf32, #tpu.memory_space<any>> -> memref<262144xf32, #tpu.memory_space<any>>
    tpu.enqueue_dma source(%dma_start3A_191 : memref<262144xf32, #tpu.memory_space<any>>) target(%dma_start3A_189 : memref<262144xf32, #tpu.memory_space<vmem>>) target_semaphore(%arg5 : memref<!tpu.dma_semaphore, #tpu.memory_space<semaphore_mem>>)
    %dma_start3A_192 = arith.constant 0 : i32
    %dma_start3A_193 = arith.constant 0 : i32
    %dma_start3A_194 = tpu.memref_slice %arg4[%dma_start3A_192, %dma_start3A_193] : memref<2x262144xi32, #tpu.memory_space<vmem>> -> memref<1x262144xi32, #tpu.memory_space<vmem>>
    %dma_start3A_195 = tpu.memref_squeeze %dma_start3A_194 : memref<1x262144xi32, #tpu.memory_space<vmem>> -> memref<262144xi32, #tpu.memory_space<vmem>>
    %dma_start3A_196 = arith.constant 1572864 : i32
    %dma_start3A_197 = tpu.memref_slice %arg1[%dma_start3A_196] : memref<2097152xi32, #tpu.memory_space<any>> -> memref<262144xi32, #tpu.memory_space<any>>
    tpu.enqueue_dma source(%dma_start3A_197 : memref<262144xi32, #tpu.memory_space<any>>) target(%dma_start3A_195 : memref<262144xi32, #tpu.memory_space<vmem>>) target_semaphore(%arg5 : memref<!tpu.dma_semaphore, #tpu.memory_space<semaphore_mem>>)
    %dma_wait3A_198 = arith.constant 1 : i32
    %dma_wait3A_199 = arith.constant 0 : i32
    %dma_wait3A_200 = tpu.memref_slice %arg3[%dma_wait3A_198, %dma_wait3A_199] : memref<2x262144xf32, #tpu.memory_space<vmem>> -> memref<1x262144xf32, #tpu.memory_space<vmem>>
    %dma_wait3A_201 = tpu.memref_squeeze %dma_wait3A_200 : memref<1x262144xf32, #tpu.memory_space<vmem>> -> memref<262144xf32, #tpu.memory_space<vmem>>
    %dma_wait3A_202 = arith.constant 1310720 : i32
    %dma_wait3A_203 = tpu.memref_slice %arg0[%dma_wait3A_202] : memref<2097152xf32, #tpu.memory_space<any>> -> memref<262144xf32, #tpu.memory_space<any>>
    tpu.wait_dma2 semaphore(%arg6 : memref<!tpu.dma_semaphore, #tpu.memory_space<semaphore_mem>>) src(%dma_wait3A_203 : memref<262144xf32, #tpu.memory_space<any>>) dst(%dma_wait3A_201 : memref<262144xf32, #tpu.memory_space<vmem>>)
    %dma_wait3A_204 = arith.constant 1 : i32
    %dma_wait3A_205 = arith.constant 0 : i32
    %dma_wait3A_206 = tpu.memref_slice %arg4[%dma_wait3A_204, %dma_wait3A_205] : memref<2x262144xi32, #tpu.memory_space<vmem>> -> memref<1x262144xi32, #tpu.memory_space<vmem>>
    %dma_wait3A_207 = tpu.memref_squeeze %dma_wait3A_206 : memref<1x262144xi32, #tpu.memory_space<vmem>> -> memref<262144xi32, #tpu.memory_space<vmem>>
    %dma_wait3A_208 = arith.constant 1310720 : i32
    %dma_wait3A_209 = tpu.memref_slice %arg1[%dma_wait3A_208] : memref<2097152xi32, #tpu.memory_space<any>> -> memref<262144xi32, #tpu.memory_space<any>>
    tpu.wait_dma2 semaphore(%arg6 : memref<!tpu.dma_semaphore, #tpu.memory_space<semaphore_mem>>) src(%dma_wait3A_209 : memref<262144xi32, #tpu.memory_space<any>>) dst(%dma_wait3A_207 : memref<262144xi32, #tpu.memory_space<vmem>>)
    %get3A_210 = arith.constant 1 : index
    %get3A_211 = arith.constant 0 : index
    %get3A_212 = vector.load %arg3[%get3A_210, %get3A_211] : memref<2x262144xf32, #tpu.memory_space<vmem>>, vector<1x262144xf32>
    %get3A_213 = vector.shape_cast %get3A_212 : vector<1x262144xf32> to vector<262144xf32>
    %reshape3A_214 = vector.shape_cast %get3A_213 : vector<262144xf32> to vector<256x1024xf32>
    %get3A_215 = arith.constant 1 : index
    %get3A_216 = arith.constant 0 : index
    %get3A_217 = vector.load %arg4[%get3A_215, %get3A_216] : memref<2x262144xi32, #tpu.memory_space<vmem>>, vector<1x262144xi32>
    %get3A_218 = vector.shape_cast %get3A_217 : vector<1x262144xi32> to vector<262144xi32>
    %reshape3A_219 = vector.shape_cast %get3A_218 : vector<262144xi32> to vector<256x1024xi32>
    %convert_element_type3A_220 = arith.sitofp %reshape3A_219 : vector<256x1024xi32> to vector<256x1024xf32>
    %mul3A_221 = arith.constant 2.000000e+00 : f32
    %mul3A_222 = vector.broadcast %mul3A_221 : f32 to vector<256x1024xf32>
    %mul3A_223 = arith.mulf %mul3A_222, %reshape3A_214 : vector<256x1024xf32>
    %sub3A_224 = arith.constant 1.000000e+00 : f32
    %sub3A_225 = vector.broadcast %sub3A_224 : f32 to vector<256x1024xf32>
    %sub3A_226 = arith.subf %mul3A_223, %sub3A_225 : vector<256x1024xf32>
    %mul3A_227 = arith.mulf %convert_element_type3A_220, %sub3A_226 : vector<256x1024xf32>
    %sub3A_228 = arith.constant 1.000000e+00 : f32
    %sub3A_229 = vector.broadcast %sub3A_228 : f32 to vector<256x1024xf32>
    %sub3A_230 = arith.subf %sub3A_229, %reshape3A_214 : vector<256x1024xf32>
    %add3A_231 = arith.addf %sub3A_230, %mul3A_227 : vector<256x1024xf32>
    %max3A_232 = arith.constant 9.99999974E-5 : f32
    %max3A_233 = vector.broadcast %max3A_232 : f32 to vector<256x1024xf32>
    %max3A_234 = arith.maximumf %add3A_231, %max3A_233 : vector<256x1024xf32>
    %sub3A_235 = arith.subf %reshape3A_214, %mul3A_227 : vector<256x1024xf32>
    %mul3A_236 = arith.constant 5.000000e-01 : f32
    %mul3A_237 = vector.broadcast %mul3A_236 : f32 to vector<256x1024xf32>
    %mul3A_238 = arith.mulf %mul3A_237, %convert_element_type3A_220 : vector<256x1024xf32>
    %sub3A_239 = arith.constant 7.500000e-01 : f32
    %sub3A_240 = vector.broadcast %sub3A_239 : f32 to vector<256x1024xf32>
    %sub3A_241 = arith.subf %sub3A_240, %mul3A_238 : vector<256x1024xf32>
    %mul3A_242 = arith.mulf %sub3A_235, %sub3A_235 : vector<256x1024xf32>
    %mul3A_243 = arith.mulf %sub3A_241, %mul3A_242 : vector<256x1024xf32>
    %log3A_244 = math.log %max3A_234 : vector<256x1024xf32>
    %mul3A_245 = arith.mulf %mul3A_243, %log3A_244 : vector<256x1024xf32>
    %add3A_246 = arith.addf %add3A_185, %mul3A_245 : vector<256x1024xf32>
    %dma_start3A_247 = arith.constant 1 : i32
    %dma_start3A_248 = arith.constant 0 : i32
    %dma_start3A_249 = tpu.memref_slice %arg3[%dma_start3A_247, %dma_start3A_248] : memref<2x262144xf32, #tpu.memory_space<vmem>> -> memref<1x262144xf32, #tpu.memory_space<vmem>>
    %dma_start3A_250 = tpu.memref_squeeze %dma_start3A_249 : memref<1x262144xf32, #tpu.memory_space<vmem>> -> memref<262144xf32, #tpu.memory_space<vmem>>
    %dma_start3A_251 = arith.constant 1835008 : i32
    %dma_start3A_252 = tpu.memref_slice %arg0[%dma_start3A_251] : memref<2097152xf32, #tpu.memory_space<any>> -> memref<262144xf32, #tpu.memory_space<any>>
    tpu.enqueue_dma source(%dma_start3A_252 : memref<262144xf32, #tpu.memory_space<any>>) target(%dma_start3A_250 : memref<262144xf32, #tpu.memory_space<vmem>>) target_semaphore(%arg6 : memref<!tpu.dma_semaphore, #tpu.memory_space<semaphore_mem>>)
    %dma_start3A_253 = arith.constant 1 : i32
    %dma_start3A_254 = arith.constant 0 : i32
    %dma_start3A_255 = tpu.memref_slice %arg4[%dma_start3A_253, %dma_start3A_254] : memref<2x262144xi32, #tpu.memory_space<vmem>> -> memref<1x262144xi32, #tpu.memory_space<vmem>>
    %dma_start3A_256 = tpu.memref_squeeze %dma_start3A_255 : memref<1x262144xi32, #tpu.memory_space<vmem>> -> memref<262144xi32, #tpu.memory_space<vmem>>
    %dma_start3A_257 = arith.constant 1835008 : i32
    %dma_start3A_258 = tpu.memref_slice %arg1[%dma_start3A_257] : memref<2097152xi32, #tpu.memory_space<any>> -> memref<262144xi32, #tpu.memory_space<any>>
    tpu.enqueue_dma source(%dma_start3A_258 : memref<262144xi32, #tpu.memory_space<any>>) target(%dma_start3A_256 : memref<262144xi32, #tpu.memory_space<vmem>>) target_semaphore(%arg6 : memref<!tpu.dma_semaphore, #tpu.memory_space<semaphore_mem>>)
    %dma_wait3A_259 = arith.constant 0 : i32
    %dma_wait3A_260 = arith.constant 0 : i32
    %dma_wait3A_261 = tpu.memref_slice %arg3[%dma_wait3A_259, %dma_wait3A_260] : memref<2x262144xf32, #tpu.memory_space<vmem>> -> memref<1x262144xf32, #tpu.memory_space<vmem>>
    %dma_wait3A_262 = tpu.memref_squeeze %dma_wait3A_261 : memref<1x262144xf32, #tpu.memory_space<vmem>> -> memref<262144xf32, #tpu.memory_space<vmem>>
    %dma_wait3A_263 = arith.constant 1572864 : i32
    %dma_wait3A_264 = tpu.memref_slice %arg0[%dma_wait3A_263] : memref<2097152xf32, #tpu.memory_space<any>> -> memref<262144xf32, #tpu.memory_space<any>>
    tpu.wait_dma2 semaphore(%arg5 : memref<!tpu.dma_semaphore, #tpu.memory_space<semaphore_mem>>) src(%dma_wait3A_264 : memref<262144xf32, #tpu.memory_space<any>>) dst(%dma_wait3A_262 : memref<262144xf32, #tpu.memory_space<vmem>>)
    %dma_wait3A_265 = arith.constant 0 : i32
    %dma_wait3A_266 = arith.constant 0 : i32
    %dma_wait3A_267 = tpu.memref_slice %arg4[%dma_wait3A_265, %dma_wait3A_266] : memref<2x262144xi32, #tpu.memory_space<vmem>> -> memref<1x262144xi32, #tpu.memory_space<vmem>>
    %dma_wait3A_268 = tpu.memref_squeeze %dma_wait3A_267 : memref<1x262144xi32, #tpu.memory_space<vmem>> -> memref<262144xi32, #tpu.memory_space<vmem>>
    %dma_wait3A_269 = arith.constant 1572864 : i32
    %dma_wait3A_270 = tpu.memref_slice %arg1[%dma_wait3A_269] : memref<2097152xi32, #tpu.memory_space<any>> -> memref<262144xi32, #tpu.memory_space<any>>
    tpu.wait_dma2 semaphore(%arg5 : memref<!tpu.dma_semaphore, #tpu.memory_space<semaphore_mem>>) src(%dma_wait3A_270 : memref<262144xi32, #tpu.memory_space<any>>) dst(%dma_wait3A_268 : memref<262144xi32, #tpu.memory_space<vmem>>)
    %get3A_271 = arith.constant 0 : index
    %get3A_272 = arith.constant 0 : index
    %get3A_273 = vector.load %arg3[%get3A_271, %get3A_272] : memref<2x262144xf32, #tpu.memory_space<vmem>>, vector<1x262144xf32>
    %get3A_274 = vector.shape_cast %get3A_273 : vector<1x262144xf32> to vector<262144xf32>
    %reshape3A_275 = vector.shape_cast %get3A_274 : vector<262144xf32> to vector<256x1024xf32>
    %get3A_276 = arith.constant 0 : index
    %get3A_277 = arith.constant 0 : index
    %get3A_278 = vector.load %arg4[%get3A_276, %get3A_277] : memref<2x262144xi32, #tpu.memory_space<vmem>>, vector<1x262144xi32>
    %get3A_279 = vector.shape_cast %get3A_278 : vector<1x262144xi32> to vector<262144xi32>
    %reshape3A_280 = vector.shape_cast %get3A_279 : vector<262144xi32> to vector<256x1024xi32>
    %convert_element_type3A_281 = arith.sitofp %reshape3A_280 : vector<256x1024xi32> to vector<256x1024xf32>
    %mul3A_282 = arith.constant 2.000000e+00 : f32
    %mul3A_283 = vector.broadcast %mul3A_282 : f32 to vector<256x1024xf32>
    %mul3A_284 = arith.mulf %mul3A_283, %reshape3A_275 : vector<256x1024xf32>
    %sub3A_285 = arith.constant 1.000000e+00 : f32
    %sub3A_286 = vector.broadcast %sub3A_285 : f32 to vector<256x1024xf32>
    %sub3A_287 = arith.subf %mul3A_284, %sub3A_286 : vector<256x1024xf32>
    %mul3A_288 = arith.mulf %convert_element_type3A_281, %sub3A_287 : vector<256x1024xf32>
    %sub3A_289 = arith.constant 1.000000e+00 : f32
    %sub3A_290 = vector.broadcast %sub3A_289 : f32 to vector<256x1024xf32>
    %sub3A_291 = arith.subf %sub3A_290, %reshape3A_275 : vector<256x1024xf32>
    %add3A_292 = arith.addf %sub3A_291, %mul3A_288 : vector<256x1024xf32>
    %max3A_293 = arith.constant 9.99999974E-5 : f32
    %max3A_294 = vector.broadcast %max3A_293 : f32 to vector<256x1024xf32>
    %max3A_295 = arith.maximumf %add3A_292, %max3A_294 : vector<256x1024xf32>
    %sub3A_296 = arith.subf %reshape3A_275, %mul3A_288 : vector<256x1024xf32>
    %mul3A_297 = arith.constant 5.000000e-01 : f32
    %mul3A_298 = vector.broadcast %mul3A_297 : f32 to vector<256x1024xf32>
    %mul3A_299 = arith.mulf %mul3A_298, %convert_element_type3A_281 : vector<256x1024xf32>
    %sub3A_300 = arith.constant 7.500000e-01 : f32
    %sub3A_301 = vector.broadcast %sub3A_300 : f32 to vector<256x1024xf32>
    %sub3A_302 = arith.subf %sub3A_301, %mul3A_299 : vector<256x1024xf32>
    %mul3A_303 = arith.mulf %sub3A_296, %sub3A_296 : vector<256x1024xf32>
    %mul3A_304 = arith.mulf %sub3A_302, %mul3A_303 : vector<256x1024xf32>
    %log3A_305 = math.log %max3A_295 : vector<256x1024xf32>
    %mul3A_306 = arith.mulf %mul3A_304, %log3A_305 : vector<256x1024xf32>
    %add3A_307 = arith.addf %add3A_246, %mul3A_306 : vector<256x1024xf32>
    %dma_wait3A_308 = arith.constant 1 : i32
    %dma_wait3A_309 = arith.constant 0 : i32
    %dma_wait3A_310 = tpu.memref_slice %arg3[%dma_wait3A_308, %dma_wait3A_309] : memref<2x262144xf32, #tpu.memory_space<vmem>> -> memref<1x262144xf32, #tpu.memory_space<vmem>>
    %dma_wait3A_311 = tpu.memref_squeeze %dma_wait3A_310 : memref<1x262144xf32, #tpu.memory_space<vmem>> -> memref<262144xf32, #tpu.memory_space<vmem>>
    %dma_wait3A_312 = arith.constant 1835008 : i32
    %dma_wait3A_313 = tpu.memref_slice %arg0[%dma_wait3A_312] : memref<2097152xf32, #tpu.memory_space<any>> -> memref<262144xf32, #tpu.memory_space<any>>
    tpu.wait_dma2 semaphore(%arg6 : memref<!tpu.dma_semaphore, #tpu.memory_space<semaphore_mem>>) src(%dma_wait3A_313 : memref<262144xf32, #tpu.memory_space<any>>) dst(%dma_wait3A_311 : memref<262144xf32, #tpu.memory_space<vmem>>)
    %dma_wait3A_314 = arith.constant 1 : i32
    %dma_wait3A_315 = arith.constant 0 : i32
    %dma_wait3A_316 = tpu.memref_slice %arg4[%dma_wait3A_314, %dma_wait3A_315] : memref<2x262144xi32, #tpu.memory_space<vmem>> -> memref<1x262144xi32, #tpu.memory_space<vmem>>
    %dma_wait3A_317 = tpu.memref_squeeze %dma_wait3A_316 : memref<1x262144xi32, #tpu.memory_space<vmem>> -> memref<262144xi32, #tpu.memory_space<vmem>>
    %dma_wait3A_318 = arith.constant 1835008 : i32
    %dma_wait3A_319 = tpu.memref_slice %arg1[%dma_wait3A_318] : memref<2097152xi32, #tpu.memory_space<any>> -> memref<262144xi32, #tpu.memory_space<any>>
    tpu.wait_dma2 semaphore(%arg6 : memref<!tpu.dma_semaphore, #tpu.memory_space<semaphore_mem>>) src(%dma_wait3A_319 : memref<262144xi32, #tpu.memory_space<any>>) dst(%dma_wait3A_317 : memref<262144xi32, #tpu.memory_space<vmem>>)
    %get3A_320 = arith.constant 1 : index
    %get3A_321 = arith.constant 0 : index
    %get3A_322 = vector.load %arg3[%get3A_320, %get3A_321] : memref<2x262144xf32, #tpu.memory_space<vmem>>, vector<1x262144xf32>
    %get3A_323 = vector.shape_cast %get3A_322 : vector<1x262144xf32> to vector<262144xf32>
    %reshape3A_324 = vector.shape_cast %get3A_323 : vector<262144xf32> to vector<256x1024xf32>
    %get3A_325 = arith.constant 1 : index
    %get3A_326 = arith.constant 0 : index
    %get3A_327 = vector.load %arg4[%get3A_325, %get3A_326] : memref<2x262144xi32, #tpu.memory_space<vmem>>, vector<1x262144xi32>
    %get3A_328 = vector.shape_cast %get3A_327 : vector<1x262144xi32> to vector<262144xi32>
    %reshape3A_329 = vector.shape_cast %get3A_328 : vector<262144xi32> to vector<256x1024xi32>
    %convert_element_type3A_330 = arith.sitofp %reshape3A_329 : vector<256x1024xi32> to vector<256x1024xf32>
    %mul3A_331 = arith.constant 2.000000e+00 : f32
    %mul3A_332 = vector.broadcast %mul3A_331 : f32 to vector<256x1024xf32>
    %mul3A_333 = arith.mulf %mul3A_332, %reshape3A_324 : vector<256x1024xf32>
    %sub3A_334 = arith.constant 1.000000e+00 : f32
    %sub3A_335 = vector.broadcast %sub3A_334 : f32 to vector<256x1024xf32>
    %sub3A_336 = arith.subf %mul3A_333, %sub3A_335 : vector<256x1024xf32>
    %mul3A_337 = arith.mulf %convert_element_type3A_330, %sub3A_336 : vector<256x1024xf32>
    %sub3A_338 = arith.constant 1.000000e+00 : f32
    %sub3A_339 = vector.broadcast %sub3A_338 : f32 to vector<256x1024xf32>
    %sub3A_340 = arith.subf %sub3A_339, %reshape3A_324 : vector<256x1024xf32>
    %add3A_341 = arith.addf %sub3A_340, %mul3A_337 : vector<256x1024xf32>
    %max3A_342 = arith.constant 9.99999974E-5 : f32
    %max3A_343 = vector.broadcast %max3A_342 : f32 to vector<256x1024xf32>
    %max3A_344 = arith.maximumf %add3A_341, %max3A_343 : vector<256x1024xf32>
    %sub3A_345 = arith.subf %reshape3A_324, %mul3A_337 : vector<256x1024xf32>
    %mul3A_346 = arith.constant 5.000000e-01 : f32
    %mul3A_347 = vector.broadcast %mul3A_346 : f32 to vector<256x1024xf32>
    %mul3A_348 = arith.mulf %mul3A_347, %convert_element_type3A_330 : vector<256x1024xf32>
    %sub3A_349 = arith.constant 7.500000e-01 : f32
    %sub3A_350 = vector.broadcast %sub3A_349 : f32 to vector<256x1024xf32>
    %sub3A_351 = arith.subf %sub3A_350, %mul3A_348 : vector<256x1024xf32>
    %mul3A_352 = arith.mulf %sub3A_345, %sub3A_345 : vector<256x1024xf32>
    %mul3A_353 = arith.mulf %sub3A_351, %mul3A_352 : vector<256x1024xf32>
    %log3A_354 = math.log %max3A_344 : vector<256x1024xf32>
    %mul3A_355 = arith.mulf %mul3A_353, %log3A_354 : vector<256x1024xf32>
    %add3A_356 = arith.addf %add3A_307, %mul3A_355 : vector<256x1024xf32>
    %reduce_sum3A = vector.shape_cast %add3A_356 : vector<256x1024xf32> to vector<1x256x1024xf32>
    %reduce_sum3A_357 = arith.constant dense<0.000000e+00> : vector<1xf32>
    %reduce_sum3A_358 = vector.multi_reduction <add>, %reduce_sum3A, %reduce_sum3A_357 [1, 2] : vector<1x256x1024xf32> to vector<1xf32>
    %reduce_sum3A_359 = vector.shape_cast %reduce_sum3A_358 : vector<1xf32> to vector<1x1x1xf32>
    %reduce_sum3A_360 = vector.extract %reduce_sum3A_359[0, 0, 0] : f32 from vector<1x1x1xf32>
    %swap3A = arith.constant 0 : index
    %swap3A_361 = arith.constant 0 : index
    %swap3A_362 = memref.load %arg2[%swap3A, %swap3A_361] : memref<1x1xf32, #tpu.memory_space<smem>>
    memref.store %reduce_sum3A_360, %arg2[%swap3A, %swap3A_361] : memref<1x1xf32, #tpu.memory_space<smem>>
    return
  }
}

</mosaic_0001>

<sc_bundles>
// kernel: kernel.5.cloned.1.call-start
scs
__scs_entry_jumppad:
0x0: {  	(pc) =	sbr.rel $0x88, $3  }
0x1: {  	(tag) =	ssettag $0x0;
	lr =	simm.s32 $0x1  }
0x2: {  	[smem:$0x3F9F] =	sst lr;
	_ =	strace $0xD0000000  }
0x3: {  	_ = 	snop  }
0x4: {  	_ = 	snop  }
0x5: {  	_ = 	snop  }
0x6: {  	_ = 	snop  }
0x7: {  	_ = 	snop  }
__scs_overlays_trampoline_lowered:
0x8: {  	[smem:$0x3FAE] =	sst s0  }
0x9: {  	[smem:$0x3FAF] =	sst s1  }
0xa: {  	[smem:$0x3FB0] =	sst s2  }
0xb: {  	[smem:$0x3FB1] =	sst s3  }
0xc: {  	[smem:$0x3FB2] =	sst s4  }
0xd: {  	[smem:$0x3FB3] =	sst s5  }
0xe: {  	[smem:$0x3FB4] =	sst s6  }
0xf: {  	[smem:$0x3FB5] =	sst s7  }
0x10: {  	[smem:$0x3FB6] =	sst s8  }
0x11: {  	[smem:$0x3FB7] =	sst s9;
	s0 =	simm.s32 @!p0 $0x0  }
0x12: {  	s1 =	sld [smem:$0x3F9D];
	s0 =	simm.s32 @p0 $0x1  }
0x13: {  	[smem:$0x3FB8] =	sst s0;
	s0 =	simm.s32 @!p1 $0x0  }
0x14: {  	s2 =	sld [smem:$0x3F9C];
	s0 =	simm.s32 @p1 $0x1  }
0x15: {  	[smem:$0x3FB9] =	sst s0;
	s0 =	simm.s32 @!p2 $0x0  }
0x16: {  	s3 =	sld [smem:$0x3FDB];
	s0 =	simm.s32 @p2 $0x1  }
0x17: {  	s4 =	simm.s32 $0x1BF5;
	[smem:$0x3FBB] =	sst s0  }
0x18: {  	s0 =	sld [smem:$0x3F9E];
	_ =	swait.ge [sflag:s4], $0x0  }
0x19: {  	s7 =	sld [smem:$0x3F9F]  }
0x1a: {  	s8 =	sadd.s32 $0xFFFFE003, lr  }
0x1b: {  	s9 =	sadd.s32 $0xFFFFFEF7, lr;
	s5 =	simm.s32 $0xFFFFFFFF;
	p2 =	slt.u32 s8, $0xFFFFF086  }
0x1c: {  	p1 =	slt.u32 s9, $0xF7A;
	s5 =	simm.s32 @!p2 $0x0  }
0x1d: {  	s5 =	simm.s32 @p1 $0x1;
	p0 =	seq.s32 s7, s2  }
0x1e: {  	s7 =	smul.u32 @!p0 $0xF7A, s2;
	p2 =	seq.s32 @!p0 s5, $0x0  }
0x1f: {  	s9 =	smul.u32 $0xF7A, s1;
	s8 =	simm.s32 @!p0 $0x1BF5;
	p2 =	por !p2, p0  }
0x20: {  	[sflag:s8] =	ssyncset.s32 @!p0 $0xFFFFF086;
	s6 =	sadd.s32 @!p0 s3, s7;
	s7 =	simm.s32 @!p0 $0x108  }
0x21: {  	s3 =	sadd.s32 s3, s9;
	s6 =	sadd.s32 @!p0 $0x88, s6;
	s7 =	simm.s32 @p2 $0x1082  }
0x22: {  	[simem:s7], [sflag:s8] =	dma.local @!p0 [hbm:s6], $0xF7A  }
0x23: {  	s9 =	sor.u32 $0xD0000000, s2;
	s6 =	simm.s32 $0x108;
	_ =	swait.ge @!p0 [sflag:s8], $0x0  }
0x24: {  	s3 =	sadd.s32 $0x88, s3;
	s6 =	simm.s32 @!p1 $0x1082;
	[sflag:s4] =	ssyncset.s32 $0xFFFFF086  }
0x25: {  	[simem:s6], [sflag:s4] =	dma.local [hbm:s3], $0xF7A  }
0x26: {  	[smem:$0x3F9F] =	sst s1;
	(tag) =	ssettag s2;
	_ =	strace s9  }
0x27: {  	s1 =	sld [smem:$0x3FAF]  }
0x28: {  	s2 =	sld [smem:$0x3FB0]  }
0x29: {  	s4 =	sld [smem:$0x3FB2]  }
0x2a: {  	p0 =	seq.s32 s5, $0x0;
	s5 =	sld [smem:$0x3FB3]  }
0x2b: {  	s6 =	sld [smem:$0x3FB4]  }
0x2c: {  	s7 =	sld [smem:$0x3FB5]  }
0x2d: {  	s3 =	simm.s32 $0x108;
	s8 =	sld [smem:$0x3FB6]  }
0x2e: {  	s3 =	simm.s32 @!p0 $0x1082;
	s9 =	sld [smem:$0x3FB7]  }
0x2f: {  	lr =	sadd.s32 s0, s3;
	s0 =	sld [smem:$0x3FAE]  }
0x30: {  	s3 =	sld [smem:$0x3FB1]  }
0x31: {  	[smem:$0x3FBA] =	sst s10  }
0x32: {  	s10 =	sld [smem:$0x3FB8];
	_ =	sdelay $0x3  }
0x33: {  	p0 =	seq.s32 s10, $0x1;
	s10 =	sld [smem:$0x3FBA];
	_ =	sdelay $0x3  }
0x34: {  	[smem:$0x3FBA] =	sst s10  }
0x35: {  	s10 =	sld [smem:$0x3FB9];
	_ =	sdelay $0x3  }
0x36: {  	p1 =	seq.s32 s10, $0x1;
	s10 =	sld [smem:$0x3FBA];
	_ =	sdelay $0x3  }
0x37: {  	[smem:$0x3FBA] =	sst s10  }
0x38: {  	s10 =	sld [smem:$0x3FBB]  }
0x39: {  	_ = 	snop;
	(pc) =	sbr.ind lr, $3  }
0x3a: {  	_ = 	snop  }
0x3b: {  	_ = 	snop  }
0x3c: {  	p2 =	seq.s32 s10, $0x1;
	s10 =	sld [smem:$0x3FBA]  }
0x3d: {  	_ =	shalt  }
0x3e: {  	_ =	shalt  }
0x3f: {  	_ =	shalt  }
0x40: {  	_ =	shalt  }
0x41: {  	_ =	shalt  }
0x42: {  	_ =	shalt  }
0x43: {  	_ =	shalt  }
0x44: {  	_ =	shalt  }
0x45: {  	_ =	shalt  }
0x46: {  	_ =	shalt  }
0x47: {  	_ =	shalt  }
0x48: {  	_ =	shalt  }
0x49: {  	_ =	shalt  }
0x4a: {  	_ =	shalt  }
0x4b: {  	_ =	shalt  }
0x4c: {  	_ =	shalt  }
0x4d: {  	_ =	shalt  }
0x4e: {  	_ =	shalt  }
0x4f: {  	_ =	shalt  }
0x50: {  	_ =	shalt  }
0x51: {  	_ =	shalt  }
0x52: {  	_ =	shalt  }
0x53: {  	_ =	shalt  }
0x54: {  	_ =	shalt  }
0x55: {  	_ =	shalt  }
0x56: {  	_ =	shalt  }
0x57: {  	_ =	shalt  }
0x58: {  	_ =	shalt  }
0x59: {  	_ =	shalt  }
0x5a: {  	_ =	shalt  }
0x5b: {  	_ =	shalt  }
0x5c: {  	_ =	shalt  }
0x5d: {  	_ =	shalt  }
0x5e: {  	_ =	shalt  }
0x5f: {  	_ =	shalt  }
0x60: {  	_ =	shalt  }
0x61: {  	_ =	shalt  }
0x62: {  	_ =	shalt  }
0x63: {  	_ =	shalt  }
0x64: {  	_ =	shalt  }
0x65: {  	_ =	shalt  }
0x66: {  	_ =	shalt  }
0x67: {  	_ =	shalt  }
0x68: {  	_ =	shalt  }
0x69: {  	_ =	shalt  }
0x6a: {  	_ =	shalt  }
0x6b: {  	_ =	shalt  }
0x6c: {  	_ =	shalt  }
0x6d: {  	_ =	shalt  }
0x6e: {  	_ =	shalt  }
0x6f: {  	_ =	shalt  }
0x70: {  	_ =	shalt  }
0x71: {  	_ =	shalt  }
0x72: {  	_ =	shalt  }
0x73: {  	_ =	shalt  }
0x74: {  	_ =	shalt  }
0x75: {  	_ =	shalt  }
0x76: {  	_ =	shalt  }
0x77: {  	_ =	shalt  }
0x78: {  	_ =	shalt  }
0x79: {  	_ =	shalt  }
0x7a: {  	_ =	shalt  }
0x7b: {  	_ =	shalt  }
0x7c: {  	_ =	shalt  }
0x7d: {  	_ =	shalt  }
0x7e: {  	_ =	shalt  }
0x7f: {  	_ =	shalt  }
0x80: {  	_ =	shalt  }
0x81: {  	_ =	shalt  }
0x82: {  	_ =	shalt  }
0x83: {  	_ =	shalt  }
0x84: {  	_ =	shalt  }
0x85: {  	_ =	shalt  }
0x86: {  	_ =	shalt  }
0x87: {  	_ =	shalt  }
.Lfunc_end0:
.L_simem_size_0:
called_computation_lowered:
.L_overlay_start_0:
0x88: {  	s2 =	sld [smem:$0x3FD9]  }
0x89: {  	s3 =	sld [smem:$0x3FFE];
	_ =	sdelay $0x1  }
0x8a: {  	s1 =	srdreg.scid  }
0x8b: {  	s0 =	sand.u32 $0x1, s1  }
0x8c: {  	s17 =	sshll.u32 s0, $0xA;
	s2 =	sadd.s32 s3, s2  }
0x8d: {  	s2 =	sadd.s32 s2, s17  }
0x8e: {  	[smem:$0x3FC6] =	sst s2  }
0x8f: {  	_ = 	snop  }
0x90: {  	s2 =	sld [smem:$0x3FC9]  }
0x91: {  	s18 =	sld [smem:$0x3FC8];
	(tm) =	ssettm $0x1  }
0x92: {  	s4 =	sld [smem:$0x3FFB];
	_ =	sdelay $0x3  }
0x93: {  	_ =	strace s4  }
0x94: {  	s4 =	sld [smem:$0x3FFC];
	_ =	sdelay $0x3  }
0x95: {  	_ =	strace s4  }
0x96: {  	s4 =	sld [smem:$0x3FFD];
	_ =	sdelay $0x3  }
0x97: {  	_ =	strace s4  }
0x98: {  	_ =	strace $0x8FFFFFFF  }
0x99: {  	s19 =	sld [smem:$0x3FDB];
	_ =	sdelay $0x1  }
0x9a: {  	s5 =	simm.s32 $_scs_section_size  }
0x9b: {  	s6 =	simm.s32 $_size__tile_overlayer_lowered;
	s7 =	simm.s32 $_tile_overlayer_lowered  }
0x9c: {  	s22 =	simm.s32 $0x1BFF;
	s21 =	sshll.u32 s7, $0x1;
	s4 =	sadd.s32 s5, s19  }
0x9d: {  	s8 =	simm.s32 $0x0;
	s20 =	sshll.u32 s6, $0x1;
	s6 =	sadd.s32 s21, s4  }
0x9e: {  	[timem:s8], [sflag:s22] =	dma.local [hbm:s6], s20  }
0x9f: {  	_ =	swait.ge [sflag:s22], s20  }
0xa0: {  	s5 =	ssub.s32 $0x0, s20;
	[sflag:s22] =	ssyncset.done $0x0  }
0xa1: {  	[sflag:s22] =	ssyncadd.s32 s5;
	_ =	sdelay $0x1  }
0xa2: {  	s23 =	simm.s32 $0x1B8B  }
0xa3: {  	_ =	swait.ge [sflag:s23], $0x1  }
0xa4: {  	[sflag:s23] =	ssyncset.done $0x0  }
0xa5: {  	s25 =	simm.s32 $0x1B8E;
	s24 =	sld [smem:$0x3FFE];
	[sflag:s23] =	ssyncadd.s32 $0xFFFFFFFF  }
0xa6: {  	s26 =	simm.s32 $execute0_lowered;
	[smem:$0x3FD2] =	sst s25  }
0xa7: {  	s6 =	sshll.u32 s26, $0x1;
	_ =	strace $0x80000046;
	[dreg:$0x1] =	wrdreg $0xFFFFFFFF  }
0xa8: {  	s28 =	simm.s32 $_size_execute0_lowered;
	s4 =	sadd.s32 s4, s6;
	[dreg:$0x0] =	wrdreg $0x0  }
0xa9: {  	s6 =	sshll.u32 s28, $0x1;
	[dreg:$0x2] =	wrdreg s4  }
0xaa: {  	[dreg:$0x3] =	wrdreg s6  }
0xab: {  	[dreg:$0x4] =	wrdreg $0xC0  }
0xac: {  	_ =	task [dreg:s8], $0x5FFFF  }
0xad: {  	[dreg:$0x1] =	wrdreg $0xFFFFFFFF  }
0xae: {  	[dreg:$0x0] =	wrdreg $0x60  }
0xaf: {  	[dreg:$0x2] =	wrdreg s2  }
0xb0: {  	[dreg:$0x3] =	wrdreg s18  }
0xb1: {  	[dreg:$0x4] =	wrdreg s24  }
0xb2: {  	[dreg:$0x5] =	wrdreg $0x9  }
0xb3: {  	_ =	task.clear_ibuf [dreg:s8], $0x6FFFF;
	_ =	strace $0x90000046  }
0xb4: {  	s29 =	simm.s32 $0x9;
	_ =	strace $0x80000048  }
0xb5: {  	_ =	swait.ge [sflag:s29], $0x1  }
0xb6: {  	[sflag:s29] =	ssyncadd.s32 $0xFFFFFFFF  }
0xb7: {  	_ =	strace $0x90000048  }
0xb8: {  	_ =	sfence  }
0xb9: {  	s30 =	sld [smem:$0x0];
	_ =	sdelay $0x2  }
0xba: {  	s31 =	sshll.u32 s1, $0xD;
	s1 =	sshrl.u32 s1, $0x2  }
0xbb: {  	s3 =	sand.u32 $0x4000, s31;
	s1 =	sadd.s32 s1, s30  }
0xbc: {  	s0 =	sor.u32 s3, s0;
	s1 =	sshll.u32 s1, $0x11  }
0xbd: {  	s0 =	sor.u32 s1, s0  }
0xbe: {  	s0 =	sadd.s32 $0x8F2B, s0  }
0xbf: {  	[sflag:s0] =	ssyncadd.remote.s32 $0x1  }
0xc0: {  	_ =	sfence.sel $0xFFFF  }
0xc1: {  	[dreg:$0x0] =	wrdreg $0xFFFFFFFF;
	(pc) =	sbr.abs _section_cstart, $3  }
0xc2: {  	[dreg:$0x1] =	wrdreg $0xFFFFFFFF  }
0xc3: {  	_ =	task.clear_ibuf [dreg:s8], $0x2FFFF;
	_ =	strace $0x9FFFFFFF  }
0xc4: {  	(tm) =	ssettm $0x7FFFFFFF  }
0xc5: {  	_ =	shalt  }
tec
execute0_lowered:
.L_overlay_start_1:
0x0: {  	(tag) =	ssettag $0x1  }
0x1: {  	s6 =	rddreg [dreg:$0x0]  }
0x2: {  	s7 =	rddreg [dreg:$0x1]  }
0x3: {  	s4 =	rddreg [dreg:$0x2]  }
0x4: {  	s0 =	rddreg [dreg:$0x3];
	s2 =	simm.s32 $0x0  }
0x5: {  	s3 =	srdreg.scid;
	s1 =	stileid.u32;
	s12 =	simm.s32 $0x1  }
0x6: {  	s13 =	simm.s32 $0x3;
	s14 =	simm.s32 $0x2;
	s15 =	simm.s32 $0x4  }
0x7: {  	s16 =	simm.s32 $0x8E80;
	s17 =	simm.s32 $0x6;
	s18 =	simm.s32 $0x0  }
0x8: {  	[smem:$0x7FF] =	sst s2;
	s5 =	sand.u32 $0x1, s3;
	s8 =	sshll.u32 s1, $0x1  }
0x9: {  	s3 =	sadd.s32 $0xA00, s4;
	s8 =	sor.u32 s5, s8;
	s5 =	ssub.s32 $0x2, s5  }
0xa: {  	_ =	strace $0x80000047;
	s9 =	sshll.u32 s8, $0x1;
	s10 =	sshrl.u32 s5, $0x1  }
0xb: {  	s8 =	sshll.u32 s8, $0xB;
	s9 =	sadd.s32 s9, s4;
	s10 =	ssub.s32 s5, s10  }
0xc: {  	s11 =	sor.u32 $0x400, s8;
	s4 =	sadd.s32 s6, s8;
	s5 =	sadd.s32 s7, s8  }
0xd: {  	s6 =	sadd.s32 s6, s11;
	s7 =	sadd.s32 s7, s11;
	s8 =	sadd.s32 $0xC00, s9  }
0xe: {  	v0 =	vimm.f32 $7.500000000e-01;
	s9 =	smax.u32 s10, $0x1;
	s10 =	simm.s32 $0x8000;
	s11 =	simm.s32 $0x5  }
.LBB2_1:
0xf: {  	[tilespmem:s10], [sflag:$0x5] =	stream.linear.gather [hbm4b:s3+s2], $0xE80, $0x38;
	[tilespmem:$0x8F00] =	vst v63  }
0x10: {  	s19 =	simm.s32 $0x10  }
0x11: {  	s22 =	sadd.s32 $0x0, s4;
	s20 =	simm.s32 $0x100;
	s21 =	simm.s32 $0x0  }
.LBB2_2:
0x12: {  	[tilespmem:s21], [sflag:$0x1] =	stream.linear.gather [hbm4b:s22+s2], $0x80, $0x38;
	[tilespmem:$0x8F00] =	vst v63  }
0x13: {  	s22 =	smov.u32 s19;
	s21 =	smov.u32 s20;
	p0 =	sne.s32 s19, $0x3F0  }
.Ltmp0:
0x14: {  	s19 =	sadd.s32 $0x10, s19;
	(pc) =	sbr.rel @p0 .LBB2_2-.Ltmp0, $2  }
0x15: {  	_ =	sdelay $0x2  }
0x16: {  	s20 =	sadd.s32 $0x100, s20;
	s22 =	sadd.s32 s22, s4  }
0x17: {  	[tilespmem:s21], [sflag:$0x1] =	stream.linear.gather [hbm4b:s22+s2], $0x80, $0x38;
	[tilespmem:$0x8F00] =	vst v63  }
0x18: {  	s19 =	simm.s32 $0x4000  }
0x19: {  	s20 =	simm.s32 $0x10;
	s22 =	sadd.s32 $0x0, s5;
	s21 =	simm.s32 $0x4100  }
.LBB2_4:
0x1a: {  	[tilespmem:s19], [sflag:$0x3] =	stream.linear.gather [hbm4b:s22+s2], $0x80, $0x38;
	[tilespmem:$0x8F00] =	vst v63  }
0x1b: {  	s22 =	smov.u32 s20;
	s19 =	smov.u32 s21;
	p0 =	sne.s32 s20, $0x3F0  }
.Ltmp1:
0x1c: {  	s20 =	sadd.s32 $0x10, s20;
	(pc) =	sbr.rel @p0 .LBB2_4-.Ltmp1, $2  }
0x1d: {  	_ =	sdelay $0x2  }
0x1e: {  	s21 =	sadd.s32 $0x100, s21;
	s22 =	sadd.s32 s22, s5  }
0x1f: {  	[tilespmem:s19], [sflag:$0x3] =	stream.linear.gather [hbm4b:s22+s2], $0x80, $0x38;
	[tilespmem:$0x8F00] =	vst v63  }
0x20: {  	s19 =	simm.s32 $0x80  }
0x21: {  	s20 =	simm.s32 $0x10;
	s22 =	sadd.s32 $0x0, s6;
	s21 =	simm.s32 $0x180  }
.LBB2_6:
0x22: {  	[tilespmem:s19], [sflag:$0x2] =	stream.linear.gather [hbm4b:s22+s2], $0x80, $0x38;
	[tilespmem:$0x8F00] =	vst v63  }
0x23: {  	s22 =	smov.u32 s20;
	s19 =	smov.u32 s21;
	p0 =	sne.s32 s20, $0x3F0  }
.Ltmp2:
0x24: {  	s20 =	sadd.s32 $0x10, s20;
	(pc) =	sbr.rel @p0 .LBB2_6-.Ltmp2, $2  }
0x25: {  	_ =	sdelay $0x2  }
0x26: {  	s21 =	sadd.s32 $0x100, s21;
	s22 =	sadd.s32 s22, s6  }
0x27: {  	[tilespmem:s19], [sflag:$0x2] =	stream.linear.gather [hbm4b:s22+s2], $0x80, $0x38;
	[tilespmem:$0x8F00] =	vst v63  }
0x28: {  	s19 =	simm.s32 $0x4080  }
0x29: {  	s20 =	simm.s32 $0x10;
	s22 =	sadd.s32 $0x0, s7;
	s21 =	simm.s32 $0x4180  }
.LBB2_8:
0x2a: {  	[tilespmem:s19], [sflag:$0x4] =	stream.linear.gather [hbm4b:s22+s2], $0x80, $0x38;
	[tilespmem:$0x8F00] =	vst v63  }
0x2b: {  	s22 =	smov.u32 s20;
	s19 =	smov.u32 s21;
	p0 =	sne.s32 s20, $0x3F0  }
.Ltmp3:
0x2c: {  	s20 =	sadd.s32 $0x10, s20;
	(pc) =	sbr.rel @p0 .LBB2_8-.Ltmp3, $2  }
0x2d: {  	_ =	sdelay $0x2  }
0x2e: {  	s21 =	sadd.s32 $0x100, s21;
	s22 =	sadd.s32 s22, s7  }
0x2f: {  	[tilespmem:s19], [sflag:$0x4] =	stream.linear.gather [hbm4b:s22+s2], $0x80, $0x38;
	[tilespmem:$0x8F00] =	vst v63  }
0x30: {  	_ =	swait.ge [sflag:s11], $0xE80  }
0x31: {  	[sflag:s11] =	ssyncset.done $0x0  }
0x32: {  	[sflag:s11] =	ssyncadd.s32 $0xFFFFF180  }
0x33: {  	_ =	swait.ge [sflag:s12], $0x2000  }
0x34: {  	[sflag:s12] =	ssyncset.done $0x0  }
0x35: {  	[sflag:s12] =	ssyncadd.s32 $0xFFFFE000  }
0x36: {  	_ =	swait.ge [sflag:s13], $0x2000  }
0x37: {  	[sflag:s13] =	ssyncset.done $0x0  }
0x38: {  	s30 =	simm.s32 $0x0;
	[sflag:s13] =	ssyncadd.s32 $0xFFFFE000  }
0x39: {  	v2 =	vld [tilespmem:s30+$0x4000]  }
0x3a: {  	v3 =	vld [tilespmem:s30+$0x60]  }
0x3b: {  	v4 =	vld [tilespmem:s30+$0x4050]  }
0x3c: {  	v5 =	vld [tilespmem:s30+$0x4030]  }
0x3d: {  	v6 =	vld [tilespmem:s30+$0x4060]  }
0x3e: {  	v7 =	vld [tilespmem:s30+$0x20]  }
0x3f: {  	v8 =	vld [tilespmem:s30+$0x4020]  }
0x40: {  	v9 =	vld [tilespmem:s30+$0x10]  }
0x41: {  	v10 =	vld [tilespmem:s30+$0x4070]  }
0x42: {  	v13 =	vld [tilespmem:s30+$0x4040]  }
0x43: {  	s31 =	simm.s32 $0x100;
	v22 =	vld [tilespmem:s30+$0x50]  }
0x44: {  	v34 =	vld [tilespmem:s31+$0x40]  }
0x45: {  	v1 =	vimm.f32 $0.0e+00;
	vm1 =	veq.s32 v5, $0x1;
	v12 =	vsub.f32 $1.000000000e+00, v7  }
0x46: {  	vm2 =	veq.s32 v2, $0x1;
	vm3 =	veq.s32 v6, $0x1;
	vm4 =	veq.s32 v8, $0x1  }
0x47: {  	v11 =	vld [tilespmem:s30+$0x30];
	v6 =	vsub.f32 $1.000000000e+00, v9;
	v8 =	vsub.f32 $1.000000000e+00, v3;
	vm0 =	veq.s32 v4, $0x1  }
0x48: {  	v5 =	vld [tilespmem:s30+$0x40];
	vm5 =	veq.s32 v10, $0x1;
	vm6 =	veq.s32 v13, $0x1;
	v23 =	vsub.f32 $1.000000000e+00, v22  }
0x49: {  	v2 =	vld [tilespmem:s30+$0x70];
	v35 =	vsub.f32 $1.000000000e+00, v34;
	v15 =	vsel vm5, $0x3E800000, v0;
	v17 =	vsel vm1, $0x3E800000, v0  }
0x4a: {  	v21 =	vsel vm6, $0x3E800000, v0;
	v24 =	vsel vm0, $0x3E800000, v0;
	v14 =	vsel vm4, v7, v12  }
0x4b: {  	v10 =	vsel vm3, v3, v8;
	v7 =	vsel vm4, v12, v7;
	v3 =	vsel vm3, v8, v3  }
0x4c: {  	v25 =	vsel vm0, v23, v22;
	v4 =	vmax.f32 v14, $9.999999740e-05;
	v10 =	vmax.f32 v10, $9.999999740e-05  }
0x4d: {  	v14 =	vsub.f32 $1.000000000e+00, v11;
	v4 =	vshrl.u32 v4, $0xF;
	v8 =	vshrl.u32 v10, $0xF  }
0x4e: {  	v20 =	vld [tilespmem:s30+$0x0];
	v16 =	vsub.f32 $1.000000000e+00, v5;
	v4 =	vadd.s32 $0xFFFF8F00, v4;
	v13 =	vsub.f32 $1.000000000e+00, v2  }
0x4f: {  	v12 =	vmul.f32 v3, v3;
	v18 =	vsel vm1, v14, v11;
	v3 =	vadd.s32 $0xFFFF8F00, v8  }
0x50: {  	v18 =	vmul.f32 v18, v18;
	v19 =	vsel vm6, v5, v16;
	v10 =	vsel vm5, v13, v2  }
0x51: {  	v8 =	vsel vm5, v2, v13;
	v2 =	vmul.f32 v7, v7;
	v13 =	vsel vm4, $0x3E800000, v0  }
0x52: {  	v5 =	vsel vm6, v16, v5;
	v16 =	vld [tilespmem:s30+$0x4010];
	v19 =	vmax.f32 v19, $9.999999740e-05;
	v7 =	vmul.f32 v10, v10  }
0x53: {  	v10 =	vsub.f32 $1.000000000e+00, v20;
	v8 =	vmax.f32 v8, $9.999999740e-05;
	v19 =	vshrl.u32 v19, $0xF;
	v4 =	vld.idx.msk [tilespmem:v4+s10+$0x0], $0xffff  }
0x54: {  	v27 =	vld [tilespmem:s31+$0x4050];
	v5 =	vmul.f32 v5, v5;
	v8 =	vshrl.u32 v8, $0xF;
	v29 =	vadd.s32 $0xFFFF8F00, v19  }
0x55: {  	v2 =	vmul.f32 v2, v13;
	v13 =	vsel vm2, v20, v10;
	v26 =	vld.idx.msk [tilespmem:v3+s10+$0x0], $0xffff;
	v8 =	vadd.s32 $0xFFFF8F00, v8  }
0x56: {  	v3 =	vsel vm2, v10, v20;
	v10 =	vsel vm1, v11, v14;
	v11 =	vld [tilespmem:s31+$0x4000];
	v32 =	vmul.f32 v7, v15  }
0x57: {  	v10 =	vmax.f32 v10, $9.999999740e-05;
	vm1 =	veq.s32 v16, $0x1;
	v16 =	vmul.f32 v5, v21;
	v21 =	vld [tilespmem:s31+$0x4070]  }
0x58: {  	v20 =	vld [tilespmem:s31+$0x60];
	v14 =	vmul.f32 v3, v3;
	v10 =	vshrl.u32 v10, $0xF;
	v2 =	vmul.f32 v2, v4  }
0x59: {  	v10 =	vadd.s32 $0xFFFF8F00, v10;
	v4 =	vmax.f32 v13, $9.999999740e-05;
	v13 =	vsel vm3, $0x3E800000, v0;
	v29 =	vld.idx.msk [tilespmem:v29+s10+$0x0], $0xffff  }
0x5a: {  	v37 =	vld.idx.msk [tilespmem:v8+s10+$0x0], $0xffff;
	v5 =	vshrl.u32 v4, $0xF;
	v3 =	vadd.f32 v2, v1;
	v2 =	vmul.f32 v12, v13  }
0x5b: {  	v4 =	vld [tilespmem:s31+$0x10];
	v13 =	vsel vm1, v6, v9;
	v6 =	vsel vm1, v9, v6;
	v9 =	vsel vm0, v22, v23  }
0x5c: {  	v12 =	vld [tilespmem:s31+$0x4030];
	v22 =	vmul.f32 v25, v25;
	vm0 =	veq.s32 v11, $0x1;
	vm5 =	veq.s32 v21, $0x1  }
0x5d: {  	v23 =	vld [tilespmem:s31+$0x4060];
	v6 =	vmax.f32 v6, $9.999999740e-05;
	v9 =	vmax.f32 v9, $9.999999740e-05;
	v7 =	vsel vm5, $0x3E800000, v0  }
0x5e: {  	v25 =	vld [tilespmem:s31+$0x20];
	v2 =	vmul.f32 v2, v26;
	v26 =	vadd.s32 $0xFFFF8F00, v5;
	v6 =	vshrl.u32 v6, $0xF  }
0x5f: {  	v11 =	vld [tilespmem:s31+$0x4040];
	v5 =	vmul.f32 v13, v13;
	v33 =	vmul.f32 v22, v24;
	v28 =	vadd.s32 $0xFFFF8F00, v6  }
0x60: {  	v13 =	vld [tilespmem:s31+$0x30];
	v6 =	vshrl.u32 v9, $0xF;
	v8 =	vmul.f32 v16, v29;
	v2 =	vadd.f32 v2, v1  }
0x61: {  	v22 =	vld.idx.msk [tilespmem:v10+s10+$0x0], $0xffff;
	v30 =	vadd.s32 $0xFFFF8F00, v6;
	v6 =	vsel vm2, $0x3E800000, v0;
	v10 =	vsub.f32 $1.000000000e+00, v4  }
0x62: {  	v9 =	vld [tilespmem:s31+$0x4020];
	vm2 =	veq.s32 v27, $0x1;
	vm3 =	veq.s32 v12, $0x1;
	v12 =	vsel vm1, $0x3E800000, v0  }
0x63: {  	v24 =	vld [tilespmem:s31+$0x70];
	vm1 =	veq.s32 v23, $0x1;
	v23 =	vsub.f32 $1.000000000e+00, v20;
	v15 =	vmul.f32 v14, v6  }
0x64: {  	v14 =	vmul.f32 v18, v17;
	v18 =	vsub.f32 $1.000000000e+00, v25;
	vm15 =	veq.s32 v11, $0x1  }
0x65: {  	v8 =	vadd.f32 v8, v1;
	v6 =	vsel vm3, $0x3E800000, v0;
	v12 =	vmul.f32 v5, v12  }
0x66: {  	v21 =	vsel vm15, v34, v35;
	v27 =	vsel vm1, v20, v23;
	v19 =	vsub.f32 $1.000000000e+00, v13  }
0x67: {  	v5 =	vmul.f32 v14, v22;
	v31 =	vmax.f32 v21, $9.999999740e-05;
	vm4 =	veq.s32 v9, $0x1  }
0x68: {  	v22 =	vld [tilespmem:s31+$0x0];
	v20 =	vsel vm1, v23, v20;
	v9 =	vsub.f32 $1.000000000e+00, v24;
	v14 =	vsel vm4, v25, v18  }
0x69: {  	v28 =	vld.idx.msk [tilespmem:v28+s10+$0x0], $0xffff;
	v16 =	vmax.f32 v27, $9.999999740e-05;
	v23 =	vmul.f32 v20, v20;
	v14 =	vmax.f32 v14, $9.999999740e-05  }
0x6a: {  	v21 =	vld [tilespmem:s31+$0x50];
	v20 =	vshrl.u32 v31, $0xF;
	v17 =	vsel vm3, v19, v13;
	v14 =	vshrl.u32 v14, $0xF  }
0x6b: {  	v5 =	vadd.f32 v5, v1;
	v18 =	vsel vm4, v18, v25;
	v14 =	vadd.s32 $0xFFFF8F00, v14  }
0x6c: {  	v16 =	vshrl.u32 v16, $0xF;
	v38 =	vld.idx.msk [tilespmem:v30+s10+$0x0], $0xffff;
	v30 =	vmul.f32 v32, v37;
	v11 =	vmul.f32 v17, v17  }
0x6d: {  	v17 =	vsel vm15, $0x3E800000, v0;
	v36 =	vsel vm5, v9, v24;
	v25 =	vsel vm5, v24, v9  }
0x6e: {  	v39 =	vmul.f32 v18, v18;
	v12 =	vmul.f32 v12, v28;
	v28 =	vadd.s32 $0xFFFF8F00, v16  }
0x6f: {  	v24 =	vld.idx.msk [tilespmem:v26+s10+$0x0], $0xffff;
	v26 =	vsel vm15, v35, v34;
	v31 =	vsub.f32 $1.000000000e+00, v22;
	v29 =	vsub.f32 $1.000000000e+00, v21  }
0x70: {  	v18 =	vsel vm2, $0x3E800000, v0;
	v27 =	vmul.f32 v26, v26;
	v16 =	vmul.f32 v36, v36;
	v32 =	vld.idx.msk [tilespmem:v14+s10+$0x0], $0xffff  }
0x71: {  	v63 =	vsel vm0, v22, v31;
	v26 =	vsel vm2, v29, v21;
	v33 =	vmul.f32 v33, v38  }
0x72: {  	v36 =	vld [tilespmem:s31+$0x4010];
	v9 =	vadd.f32 v12, v1;
	v12 =	vsel vm4, $0x3E800000, v0;
	v34 =	vmax.f32 v63, $9.999999740e-05  }
0x73: {  	s19 =	simm.s32 $0x800;
	v35 =	vmul.f32 v39, v12;
	v12 =	vimm.f32 $0.0e+00;
	v14 =	vimm.f32 $0.0e+00;
	v28 =	vld.idx.msk [tilespmem:v28+s10+$0x0], $0xffff  }
.LBB2_10:
0x74: {  	s20 =	sshra.s32 s19, $0x2;
	p0 =	sne.s32 s19, $0xFC00;
	s19 =	sadd.s32 $0x400, s19;
	v22 =	vsel vm0, v31, v22;
	v13 =	vsel vm3, v13, v19;
	v15 =	vmul.f32 v15, v24  }
0x75: {  	v1 =	vadd.f32 v30, v1;
	v19 =	vld [tilespmem:s20+$0x4000];
	v22 =	vmul.f32 v22, v22;
	v24 =	vmul.f32 v35, v32  }
0x76: {  	v31 =	vsel vm1, $0x3E800000, v0;
	v13 =	vmax.f32 v13, $9.999999740e-05;
	v14 =	vadd.f32 v33, v14;
	v30 =	vld [tilespmem:s20+$0x60]  }
0x77: {  	v23 =	vmul.f32 v23, v31;
	v12 =	vadd.f32 v15, v12;
	v32 =	vld [tilespmem:s20+$0x4050];
	v3 =	vadd.f32 v24, v3  }
0x78: {  	v27 =	vmul.f32 v27, v17;
	v13 =	vshrl.u32 v13, $0xF;
	vm1 =	veq.s32 v36, $0x1;
	v15 =	vld [tilespmem:s20+$0x4030]  }
0x79: {  	v24 =	vshrl.u32 v34, $0xF;
	v31 =	vsel vm1, v10, v4;
	v23 =	vmul.f32 v23, v28;
	v17 =	vld [tilespmem:s20+$0x10]  }
0x7a: {  	v4 =	vsel vm1, v4, v10;
	v10 =	vsel vm2, v21, v29;
	v21 =	vmul.f32 v26, v26;
	v28 =	vld [tilespmem:s20+$0x4070]  }
0x7b: {  	v29 =	vadd.s32 $0xFFFF8F00, v13;
	v4 =	vmax.f32 v4, $9.999999740e-05;
	v2 =	vadd.f32 v23, v2;
	v26 =	vld [tilespmem:s20+$0x4060]  }
0x7c: {  	v25 =	vmax.f32 v25, $9.999999740e-05;
	v24 =	vadd.s32 $0xFFFF8F00, v24;
	v31 =	vmul.f32 v31, v31;
	v23 =	vld [tilespmem:s20+$0x20]  }
0x7d: {  	v25 =	vshrl.u32 v25, $0xF;
	v10 =	vmax.f32 v10, $9.999999740e-05;
	v35 =	vshrl.u32 v4, $0xF;
	v13 =	vld [tilespmem:s20+$0x30]  }
0x7e: {  	v25 =	vadd.s32 $0xFFFF8F00, v25;
	v10 =	vshrl.u32 v10, $0xF;
	v34 =	vadd.s32 $0xFFFF8F00, v35;
	v33 =	vld [tilespmem:s20+$0x4020];
	v4 =	vmovc v17  }
0x7f: {  	v20 =	vadd.s32 $0xFFFF8F00, v20;
	v37 =	vmul.f32 v21, v18;
	v35 =	vadd.s32 $0xFFFF8F00, v10;
	v17 =	vld [tilespmem:s20+$0x4040]  }
0x80: {  	v36 =	vmul.f32 v16, v7;
	v18 =	vsel vm1, $0x3E800000, v0;
	vm3 =	veq.s32 v15, $0x1;
	v21 =	vld.idx.msk [tilespmem:v29+s10+$0x0], $0xffff  }
0x81: {  	v7 =	vsel vm0, $0x3E800000, v0;
	vm0 =	veq.s32 v19, $0x1;
	vm1 =	veq.s32 v26, $0x1;
	v16 =	vld [tilespmem:s20+$0x70]  }
0x82: {  	v15 =	vmul.f32 v22, v7;
	v10 =	vsub.f32 $1.000000000e+00, v4;
	v29 =	vsub.f32 $1.000000000e+00, v30;
	v26 =	vld [tilespmem:s20+$0x40]  }
0x83: {  	v11 =	vmul.f32 v11, v6;
	vm2 =	veq.s32 v32, $0x1;
	vm5 =	veq.s32 v28, $0x1;
	v28 =	vld.idx.msk [tilespmem:v25+s10+$0x0], $0xffff  }
0x84: {  	v7 =	vsel vm5, $0x3E800000, v0;
	v32 =	vsel vm1, v30, v29;
	v25 =	vsub.f32 $1.000000000e+00, v23;
	v20 =	vld.idx.msk [tilespmem:v20+s10+$0x0], $0xffff  }
0x85: {  	v18 =	vmul.f32 v31, v18;
	v6 =	vsel vm3, $0x3E800000, v0;
	v19 =	vsub.f32 $1.000000000e+00, v13;
	v34 =	vld.idx.msk [tilespmem:v34+s10+$0x0], $0xffff  }
0x86: {  	vm4 =	veq.s32 v33, $0x1;
	v21 =	vmul.f32 v11, v21;
	v31 =	vsub.f32 $1.000000000e+00, v16  }
0x87: {  	v22 =	vsel vm3, v19, v13;
	v11 =	vsel vm4, v23, v25;
	v33 =	vsub.f32 $1.000000000e+00, v26;
	v24 =	vld.idx.msk [tilespmem:v24+s10+$0x0], $0xffff  }
0x88: {  	vm6 =	veq.s32 v17, $0x1;
	v38 =	vmax.f32 v11, $9.999999740e-05;
	v11 =	vmul.f32 v22, v22  }
0x89: {  	v17 =	vsel vm6, $0x3E800000, v0;
	v38 =	vshrl.u32 v38, $0xF;
	v39 =	vsel vm6, v26, v33;
	v40 =	vld.idx.msk [tilespmem:v35+s10+$0x0], $0xffff  }
0x8a: {  	v5 =	vadd.f32 v21, v5;
	v35 =	vadd.s32 $0xFFFF8F00, v38;
	v22 =	vld [tilespmem:s20+$0x0];
	v38 =	vmax.f32 v39, $9.999999740e-05  }
0x8b: {  	v41 =	vsel vm5, v31, v16;
	v27 =	vmul.f32 v27, v20;
	v39 =	vsel vm4, v25, v23;
	v21 =	vld [tilespmem:s20+$0x50]  }
0x8c: {  	v20 =	vmax.f32 v32, $9.999999740e-05;
	v23 =	vsel vm1, v29, v30;
	v34 =	vmul.f32 v18, v34  }
0x8d: {  	v18 =	vshrl.u32 v20, $0xF;
	v25 =	vsel vm5, v16, v31;
	v23 =	vmul.f32 v23, v23  }
0x8e: {  	v16 =	vmul.f32 v41, v41;
	v20 =	vshrl.u32 v38, $0xF;
	v38 =	vadd.s32 $0xFFFF8F00, v18  }
.Ltmp4:
0x8f: {  	v8 =	vadd.f32 v27, v8;
	v31 =	vsub.f32 $1.000000000e+00, v22;
	v32 =	vld.idx.msk [tilespmem:v35+s10+$0x0], $0xffff;
	v35 =	vmul.f32 v39, v39;
	(pc) =	sbr.rel @p0 .LBB2_10-.Ltmp4, $4  }
0x90: {  	v30 =	vmul.f32 v36, v28;
	v18 =	vsel vm2, $0x3E800000, v0;
	v29 =	vsub.f32 $1.000000000e+00, v21  }
0x91: {  	v26 =	vsel vm6, v33, v26;
	v9 =	vadd.f32 v34, v9;
	v28 =	vsel vm0, v22, v31  }
0x92: {  	v33 =	vsel vm4, $0x3E800000, v0;
	v27 =	vmul.f32 v26, v26;
	v36 =	vld [tilespmem:s20+$0x4010];
	v26 =	vsel vm2, v29, v21  }
0x93: {  	v35 =	vmul.f32 v35, v33;
	v33 =	vmul.f32 v37, v40;
	v34 =	vmax.f32 v28, $9.999999740e-05;
	v28 =	vld.idx.msk [tilespmem:v38+s10+$0x0], $0xffff  }
0x94: {  	v13 =	vsel vm3, v13, v19  }
0x95: {  	v19 =	vmax.f32 v25, $9.999999740e-05;
	v21 =	vsel vm2, v21, v29;
	v20 =	vadd.s32 $0xFFFF8F00, v20  }
0x96: {  	v29 =	vshrl.u32 v34, $0xF;
	v13 =	vmax.f32 v13, $9.999999740e-05;
	v19 =	vshrl.u32 v19, $0xF  }
0x97: {  	v21 =	vmax.f32 v21, $9.999999740e-05;
	v29 =	vadd.s32 $0xFFFF8F00, v29;
	vm3 =	veq.s32 v36, $0x1  }
0x98: {  	v13 =	vshrl.u32 v13, $0xF;
	v19 =	vadd.s32 $0xFFFF8F00, v19;
	v25 =	vsel vm3, v4, v10  }
0x99: {  	v21 =	vshrl.u32 v21, $0xF;
	v13 =	vadd.s32 $0xFFFF8F00, v13;
	v25 =	vmax.f32 v25, $9.999999740e-05  }
0x9a: {  	v21 =	vadd.s32 $0xFFFF8F00, v21;
	v25 =	vshrl.u32 v25, $0xF  }
0x9b: {  	v20 =	vld.idx.msk [tilespmem:v20+s10+$0x0], $0xffff;
	v25 =	vadd.s32 $0xFFFF8F00, v25  }
0x9c: {  	v29 =	vld.idx.msk [tilespmem:v29+s10+$0x0], $0xffff  }
0x9d: {  	v19 =	vld.idx.msk [tilespmem:v19+s10+$0x0], $0xffff  }
0x9e: {  	v13 =	vld.idx.msk [tilespmem:v13+s10+$0x0], $0xffff  }
0x9f: {  	v21 =	vld.idx.msk [tilespmem:v21+s10+$0x0], $0xffff  }
0xa0: {  	v25 =	vld.idx.msk [tilespmem:v25+s10+$0x0], $0xffff;
	_ =	swait.ge [sflag:s14], $0x2000  }
0xa1: {  	[sflag:s14] =	ssyncset.done $0x0  }
0xa2: {  	[sflag:s14] =	ssyncadd.s32 $0xFFFFE000  }
0xa3: {  	_ =	swait.ge [sflag:s15], $0x2000  }
0xa4: {  	v22 =	vsel vm0, v31, v22;
	[sflag:s15] =	ssyncset.done $0x0  }
0xa5: {  	v15 =	vmul.f32 v15, v24;
	v31 =	vsel vm1, $0x3E800000, v0;
	s19 =	simm.s32 $0x0;
	v24 =	vmul.f32 v35, v32;
	[sflag:s15] =	ssyncadd.s32 $0xFFFFE000  }
0xa6: {  	v1 =	vadd.f32 v30, v1;
	v23 =	vmul.f32 v23, v31;
	v30 =	vld [tilespmem:s19+$0x4080]  }
0xa7: {  	v6 =	vmul.f32 v11, v6;
	v24 =	vadd.f32 v24, v3;
	v3 =	vmul.f32 v27, v17;
	v17 =	vld [tilespmem:s19+$0xE0]  }
0xa8: {  	v4 =	vsel vm3, v10, v4;
	v10 =	vmul.f32 v23, v28;
	v23 =	vmul.f32 v26, v26;
	v26 =	vld [tilespmem:s19+$0x40D0]  }
0xa9: {  	v7 =	vmul.f32 v16, v7;
	v22 =	vmul.f32 v22, v22;
	v14 =	vadd.f32 v33, v14;
	v11 =	vld [tilespmem:s19+$0x40B0]  }
0xaa: {  	v12 =	vadd.f32 v15, v12;
	v15 =	vsel vm3, $0x3E800000, v0;
	v4 =	vmul.f32 v4, v4;
	v16 =	vld [tilespmem:s19+$0x90]  }
0xab: {  	v18 =	vmul.f32 v23, v18;
	v23 =	vsel vm0, $0x3E800000, v0;
	v6 =	vmul.f32 v6, v13;
	v27 =	vld [tilespmem:s19+$0x40E0]  }
0xac: {  	v28 =	vadd.f32 v10, v2;
	v2 =	vmul.f32 v22, v23;
	v3 =	vmul.f32 v3, v20;
	v20 =	vld [tilespmem:s19+$0xA0]  }
0xad: {  	v4 =	vmul.f32 v4, v15;
	v15 =	vadd.f32 v6, v5;
	v5 =	vmul.f32 v7, v19;
	v6 =	vld [tilespmem:s19+$0x40A0]  }
0xae: {  	v10 =	vadd.f32 v3, v8;
	v3 =	vmul.f32 v18, v21;
	v7 =	vmul.f32 v2, v29;
	v8 =	vld [tilespmem:s19+$0x40F0]  }
0xaf: {  	v1 =	vadd.f32 v5, v1;
	v5 =	vld [tilespmem:s19+$0x40C0]  }
0xb0: {  	s31 =	simm.s32 $0x100;
	v2 =	vadd.f32 v3, v14;
	v3 =	vadd.f32 v7, v12;
	v7 =	vld [tilespmem:s19+$0xC0]  }
0xb1: {  	v4 =	vmul.f32 v4, v25;
	v54 =	vld [tilespmem:s31+$0xE0]  }
0xb2: {  	v57 =	vld [tilespmem:s31+$0xC0]  }
0xb3: {  	v13 =	vadd.f32 v4, v9;
	v4 =	vld [tilespmem:s19+$0xB0]  }
0xb4: {  	vm1 =	veq.s32 v11, $0x1;
	vm2 =	veq.s32 v30, $0x1;
	v9 =	vsub.f32 $1.000000000e+00, v20  }
0xb5: {  	vm3 =	veq.s32 v27, $0x1;
	v12 =	vsub.f32 $1.000000000e+00, v17;
	vm4 =	veq.s32 v6, $0x1  }
0xb6: {  	v6 =	vsub.f32 $1.000000000e+00, v16;
	vm0 =	veq.s32 v26, $0x1;
	vm5 =	veq.s32 v8, $0x1  }
0xb7: {  	v22 =	vsub.f32 $1.000000000e+00, v7;
	vm6 =	veq.s32 v5, $0x1;
	v58 =	vsub.f32 $1.000000000e+00, v54  }
0xb8: {  	v59 =	vsub.f32 $1.000000000e+00, v57;
	v18 =	vsel vm5, $0x3E800000, v0;
	v19 =	vsub.f32 $1.000000000e+00, v4  }
0xb9: {  	v21 =	vsel vm1, $0x3E800000, v0;
	v29 =	vsel vm6, $0x3E800000, v0;
	v30 =	vsel vm4, $0x3E800000, v0  }
0xba: {  	v11 =	vld [tilespmem:s19+$0xF0];
	v31 =	vsel vm0, $0x3E800000, v0;
	v14 =	vsel vm4, v20, v9;
	v8 =	vsel vm3, v17, v12  }
0xbb: {  	v27 =	vld [tilespmem:s19+$0xD0];
	v26 =	vsel vm6, v7, v22;
	v9 =	vsel vm4, v9, v20;
	v12 =	vsel vm3, v12, v17  }
0xbc: {  	v7 =	vsel vm6, v22, v7;
	v14 =	vmax.f32 v14, $9.999999740e-05;
	v25 =	vsel vm1, v19, v4  }
0xbd: {  	v8 =	vmax.f32 v8, $9.999999740e-05;
	v26 =	vmax.f32 v26, $9.999999740e-05;
	v14 =	vshrl.u32 v14, $0xF  }
0xbe: {  	v22 =	vld [tilespmem:s19+$0x4090];
	v12 =	vmul.f32 v12, v12;
	v9 =	vmul.f32 v9, v9;
	v14 =	vadd.s32 $0xFFFF8F00, v14  }
0xbf: {  	v4 =	vsel vm1, v4, v19;
	v8 =	vshrl.u32 v8, $0xF;
	v20 =	vshrl.u32 v26, $0xF  }
0xc0: {  	v5 =	vld [tilespmem:s19+$0x80];
	v23 =	vsub.f32 $1.000000000e+00, v11;
	v8 =	vadd.s32 $0xFFFF8F00, v8;
	v26 =	vsub.f32 $1.000000000e+00, v27  }
0xc1: {  	v7 =	vmul.f32 v7, v7;
	v25 =	vmul.f32 v25, v25;
	v4 =	vmax.f32 v4, $9.999999740e-05  }
0xc2: {  	v20 =	vadd.s32 $0xFFFF8F00, v20;
	v17 =	vsel vm5, v23, v11;
	v53 =	vsel vm0, v26, v27  }
0xc3: {  	vm1 =	veq.s32 v22, $0x1;
	v22 =	vmul.f32 v7, v29;
	v17 =	vmul.f32 v17, v17;
	v14 =	vld.idx.msk [tilespmem:v14+s10+$0x0], $0xffff  }
0xc4: {  	v7 =	vld [tilespmem:s31+$0x90];
	v29 =	vsel vm1, v6, v16;
	v6 =	vsel vm1, v16, v6;
	v16 =	vmul.f32 v53, v53  }
0xc5: {  	v9 =	vmul.f32 v9, v30;
	v11 =	vsel vm5, v11, v23;
	v23 =	vsub.f32 $1.000000000e+00, v5;
	v8 =	vld.idx.msk [tilespmem:v8+s10+$0x0], $0xffff  }
0xc6: {  	v4 =	vshrl.u32 v4, $0xF;
	v37 =	vmul.f32 v16, v31;
	v31 =	vmul.f32 v17, v18;
	v18 =	vld [tilespmem:s31+$0xF0]  }
0xc7: {  	v21 =	vmul.f32 v25, v21;
	v11 =	vmax.f32 v11, $9.999999740e-05;
	v30 =	vsel vm2, v5, v23;
	v17 =	vld [tilespmem:s31+$0x40C0]  }
0xc8: {  	v5 =	vsel vm2, v23, v5;
	v23 =	vsel vm3, $0x3E800000, v0;
	v20 =	vld.idx.msk [tilespmem:v20+s10+$0x0], $0xffff;
	v9 =	vmul.f32 v9, v14  }
0xc9: {  	v6 =	vmax.f32 v6, $9.999999740e-05;
	v29 =	vmul.f32 v29, v29;
	v30 =	vmax.f32 v30, $9.999999740e-05;
	v14 =	vld [tilespmem:s31+$0x4080]  }
0xca: {  	v19 =	vmul.f32 v5, v5;
	v5 =	vadd.f32 v9, v24;
	v9 =	vmul.f32 v12, v23;
	v23 =	vld [tilespmem:s31+$0x40D0]  }
0xcb: {  	v11 =	vshrl.u32 v11, $0xF;
	v6 =	vshrl.u32 v6, $0xF;
	v24 =	vld [tilespmem:s31+$0x40B0];
	v12 =	vshrl.u32 v30, $0xF  }
0xcc: {  	v30 =	vld [tilespmem:s31+$0xA0];
	v8 =	vmul.f32 v9, v8;
	v9 =	vsel vm0, v27, v26;
	v27 =	vadd.s32 $0xFFFF8F00, v4  }
0xcd: {  	v55 =	vadd.s32 $0xFFFF8F00, v6;
	vm15 =	veq.s32 v17, $0x1;
	v41 =	vmul.f32 v22, v20;
	v26 =	vld [tilespmem:s31+$0x40F0]  }
0xce: {  	v60 =	vsel vm15, v57, v59;
	v17 =	vsel vm15, $0x3E800000, v0;
	v4 =	vadd.f32 v8, v28;
	v8 =	vld [tilespmem:s31+$0x40E0]  }
0xcf: {  	v10 =	vadd.f32 v41, v10;
	v9 =	vmax.f32 v9, $9.999999740e-05;
	v28 =	vadd.s32 $0xFFFF8F00, v12;
	v12 =	vld [tilespmem:s31+$0xB0]  }
0xd0: {  	vm0 =	veq.s32 v14, $0x1;
	v6 =	vshrl.u32 v9, $0xF;
	v9 =	vadd.s32 $0xFFFF8F00, v11;
	v11 =	vld [tilespmem:s31+$0x40A0]  }
0xd1: {  	v14 =	vsub.f32 $1.000000000e+00, v7;
	v56 =	vadd.s32 $0xFFFF8F00, v6;
	vm3 =	veq.s32 v24, $0x1;
	v27 =	vld.idx.msk [tilespmem:v27+s10+$0x0], $0xffff  }
0xd2: {  	v24 =	vsel vm1, $0x3E800000, v0;
	v6 =	vsel vm2, $0x3E800000, v0;
	vm2 =	veq.s32 v23, $0x1  }
0xd3: {  	v23 =	vsub.f32 $1.000000000e+00, v30;
	v16 =	vmul.f32 v19, v6;
	vm5 =	veq.s32 v26, $0x1  }
0xd4: {  	v24 =	vmul.f32 v29, v24;
	v29 =	vsub.f32 $1.000000000e+00, v18;
	v6 =	vsel vm5, $0x3E800000, v0  }
0xd5: {  	vm1 =	veq.s32 v8, $0x1;
	v19 =	vsub.f32 $1.000000000e+00, v12;
	vm4 =	veq.s32 v11, $0x1  }
0xd6: {  	v8 =	vsel vm3, $0x3E800000, v0;
	v11 =	vsel vm4, v30, v23;
	v21 =	vmul.f32 v21, v27;
	v27 =	vld.idx.msk [tilespmem:v55+s10+$0x0], $0xffff  }
0xd7: {  	v39 =	vld.idx.msk [tilespmem:v9+s10+$0x0], $0xffff;
	v26 =	vsel vm1, v54, v58;
	v30 =	vsel vm4, v23, v30;
	v38 =	vmax.f32 v11, $9.999999740e-05  }
0xd8: {  	v23 =	vld [tilespmem:s31+$0xD0];
	v25 =	vsel vm3, v19, v12;
	v20 =	vmax.f32 v26, $9.999999740e-05;
	v9 =	vshrl.u32 v38, $0xF  }
0xd9: {  	v62 =	vmul.f32 v30, v30;
	v11 =	vmul.f32 v25, v25;
	v25 =	vld [tilespmem:s31+$0x80];
	v40 =	vadd.s32 $0xFFFF8F00, v9  }
0xda: {  	v42 =	vld.idx.msk [tilespmem:v56+s10+$0x0], $0xffff;
	v38 =	vmax.f32 v60, $9.999999740e-05;
	v9 =	vadd.f32 v21, v15;
	v15 =	vsel vm5, v29, v18  }
0xdb: {  	v21 =	vsel vm1, v58, v54;
	v26 =	vmul.f32 v24, v27;
	v24 =	vshrl.u32 v20, $0xF  }
0xdc: {  	v22 =	vmul.f32 v21, v21;
	v21 =	vsel vm5, v18, v29;
	v61 =	vadd.s32 $0xFFFF8F00, v24  }
0xdd: {  	v15 =	vmul.f32 v15, v15;
	v29 =	vsub.f32 $1.000000000e+00, v23;
	v18 =	vsel vm2, $0x3E800000, v0;
	v27 =	vld.idx.msk [tilespmem:v28+s10+$0x0], $0xffff  }
0xde: {  	v33 =	vsub.f32 $1.000000000e+00, v25;
	v28 =	vsel vm15, v59, v57;
	v24 =	vmul.f32 v31, v39;
	v31 =	vld.idx.msk [tilespmem:v40+s10+$0x0], $0xffff  }
0xdf: {  	v32 =	vmul.f32 v37, v42;
	v20 =	vshrl.u32 v38, $0xF;
	v30 =	vmul.f32 v28, v28  }
0xe0: {  	v35 =	vld [tilespmem:s31+$0x4090];
	v63 =	vsel vm0, v25, v33;
	v13 =	vadd.f32 v26, v13;
	v26 =	vsel vm4, $0x3E800000, v0  }
0xe1: {  	s19 =	simm.s32 $0x800;
	v28 =	vsel vm2, v29, v23;
	v36 =	vmax.f32 v63, $9.999999740e-05;
	v34 =	vmul.f32 v62, v26;
	v26 =	vld.idx.msk [tilespmem:v61+s10+$0x0], $0xffff  }
.LBB2_12:
0xe2: {  	s20 =	sshra.s32 s19, $0x2;
	p0 =	sne.s32 s19, $0xFC00;
	s19 =	sadd.s32 $0x400, s19;
	v25 =	vsel vm0, v33, v25;
	v12 =	vsel vm3, v12, v19;
	v16 =	vmul.f32 v16, v27  }
0xe3: {  	v1 =	vadd.f32 v24, v1;
	v19 =	vld [tilespmem:s20+$0x4080];
	v25 =	vmul.f32 v25, v25;
	v27 =	vmul.f32 v34, v31  }
0xe4: {  	v12 =	vmax.f32 v12, $9.999999740e-05;
	v31 =	vsel vm1, $0x3E800000, v0;
	v2 =	vadd.f32 v32, v2;
	v24 =	vld [tilespmem:s20+$0xE0]  }
0xe5: {  	v22 =	vmul.f32 v22, v31;
	v3 =	vadd.f32 v16, v3;
	v32 =	vld [tilespmem:s20+$0x40D0];
	v5 =	vadd.f32 v27, v5  }
0xe6: {  	v30 =	vmul.f32 v30, v17;
	v12 =	vshrl.u32 v12, $0xF;
	vm1 =	veq.s32 v35, $0x1;
	v16 =	vld [tilespmem:s20+$0x40B0]  }
0xe7: {  	v27 =	vshrl.u32 v36, $0xF;
	v31 =	vsel vm1, v14, v7;
	v22 =	vmul.f32 v22, v26;
	v17 =	vld [tilespmem:s20+$0x90]  }
0xe8: {  	v7 =	vsel vm1, v7, v14;
	v14 =	vsel vm2, v23, v29;
	v23 =	vmul.f32 v28, v28;
	v26 =	vld [tilespmem:s20+$0x40F0]  }
0xe9: {  	v29 =	vadd.s32 $0xFFFF8F00, v12;
	v7 =	vmax.f32 v7, $9.999999740e-05;
	v4 =	vadd.f32 v22, v4;
	v28 =	vld [tilespmem:s20+$0x40E0]  }
0xea: {  	v21 =	vmax.f32 v21, $9.999999740e-05;
	v27 =	vadd.s32 $0xFFFF8F00, v27;
	v31 =	vmul.f32 v31, v31;
	v22 =	vld [tilespmem:s20+$0xA0]  }
0xeb: {  	v21 =	vshrl.u32 v21, $0xF;
	v14 =	vmax.f32 v14, $9.999999740e-05;
	v35 =	vshrl.u32 v7, $0xF;
	v12 =	vld [tilespmem:s20+$0xB0]  }
0xec: {  	v21 =	vadd.s32 $0xFFFF8F00, v21;
	v14 =	vshrl.u32 v14, $0xF;
	v34 =	vadd.s32 $0xFFFF8F00, v35;
	v33 =	vld [tilespmem:s20+$0x40A0];
	v7 =	vmovc v17  }
0xed: {  	v20 =	vadd.s32 $0xFFFF8F00, v20;
	v37 =	vmul.f32 v23, v18;
	v35 =	vadd.s32 $0xFFFF8F00, v14;
	v17 =	vld [tilespmem:s20+$0x40C0]  }
0xee: {  	v36 =	vmul.f32 v15, v6;
	v18 =	vsel vm1, $0x3E800000, v0;
	vm3 =	veq.s32 v16, $0x1;
	v23 =	vld.idx.msk [tilespmem:v29+s10+$0x0], $0xffff  }
0xef: {  	v6 =	vsel vm0, $0x3E800000, v0;
	vm0 =	veq.s32 v19, $0x1;
	vm1 =	veq.s32 v28, $0x1;
	v15 =	vld [tilespmem:s20+$0xF0]  }
0xf0: {  	v16 =	vmul.f32 v25, v6;
	v14 =	vsub.f32 $1.000000000e+00, v7;
	v29 =	vsub.f32 $1.000000000e+00, v24;
	v28 =	vld [tilespmem:s20+$0xC0]  }
0xf1: {  	v11 =	vmul.f32 v11, v8;
	vm2 =	veq.s32 v32, $0x1;
	vm5 =	veq.s32 v26, $0x1;
	v26 =	vld.idx.msk [tilespmem:v21+s10+$0x0], $0xffff  }
0xf2: {  	v6 =	vsel vm5, $0x3E800000, v0;
	v32 =	vsel vm1, v24, v29;
	v21 =	vsub.f32 $1.000000000e+00, v22;
	v20 =	vld.idx.msk [tilespmem:v20+s10+$0x0], $0xffff  }
0xf3: {  	v18 =	vmul.f32 v31, v18;
	v8 =	vsel vm3, $0x3E800000, v0;
	v19 =	vsub.f32 $1.000000000e+00, v12;
	v34 =	vld.idx.msk [tilespmem:v34+s10+$0x0], $0xffff  }
0xf4: {  	vm4 =	veq.s32 v33, $0x1;
	v23 =	vmul.f32 v11, v23;
	v31 =	vsub.f32 $1.000000000e+00, v15  }
0xf5: {  	v25 =	vsel vm3, v19, v12;
	v11 =	vsel vm4, v22, v21;
	v38 =	vsub.f32 $1.000000000e+00, v28;
	v27 =	vld.idx.msk [tilespmem:v27+s10+$0x0], $0xffff  }
0xf6: {  	vm6 =	veq.s32 v17, $0x1;
	v33 =	vmax.f32 v11, $9.999999740e-05;
	v11 =	vmul.f32 v25, v25  }
0xf7: {  	v17 =	vsel vm6, $0x3E800000, v0;
	v33 =	vshrl.u32 v33, $0xF;
	v39 =	vsel vm6, v28, v38;
	v40 =	vld.idx.msk [tilespmem:v35+s10+$0x0], $0xffff  }
0xf8: {  	v9 =	vadd.f32 v23, v9;
	v35 =	vadd.s32 $0xFFFF8F00, v33;
	v25 =	vld [tilespmem:s20+$0x80];
	v33 =	vmax.f32 v39, $9.999999740e-05  }
0xf9: {  	v41 =	vsel vm5, v31, v15;
	v30 =	vmul.f32 v30, v20;
	v39 =	vsel vm4, v21, v22;
	v23 =	vld [tilespmem:s20+$0xD0]  }
0xfa: {  	v20 =	vmax.f32 v32, $9.999999740e-05;
	v21 =	vsel vm1, v29, v24;
	v32 =	vmul.f32 v18, v34  }
0xfb: {  	v18 =	vshrl.u32 v20, $0xF;
	v22 =	vmul.f32 v21, v21;
	v21 =	vsel vm5, v15, v31  }
0xfc: {  	v20 =	vshrl.u32 v33, $0xF;
	v42 =	vadd.s32 $0xFFFF8F00, v18;
	v15 =	vmul.f32 v41, v41  }
.Ltmp5:
0xfd: {  	v34 =	vmul.f32 v39, v39;
	v10 =	vadd.f32 v30, v10;
	v33 =	vsub.f32 $1.000000000e+00, v25;
	v31 =	vld.idx.msk [tilespmem:v35+s10+$0x0], $0xffff;
	(pc) =	sbr.rel @p0 .LBB2_12-.Ltmp5, $4  }
0xfe: {  	v24 =	vmul.f32 v36, v26;
	v18 =	vsel vm2, $0x3E800000, v0;
	v29 =	vsub.f32 $1.000000000e+00, v23  }
0xff: {  	v28 =	vsel vm6, v38, v28;
	v13 =	vadd.f32 v32, v13;
	v26 =	vsel vm0, v25, v33  }
0x100: {  	v30 =	vmul.f32 v28, v28;
	v32 =	vsel vm4, $0x3E800000, v0;
	v35 =	vld [tilespmem:s20+$0x4090];
	v28 =	vsel vm2, v29, v23  }
0x101: {  	v34 =	vmul.f32 v34, v32;
	v32 =	vmul.f32 v37, v40;
	v36 =	vmax.f32 v26, $9.999999740e-05;
	v26 =	vld.idx.msk [tilespmem:v42+s10+$0x0], $0xffff  }
0x102: {  	_ =	sdelay $0x2  }
0x103: {  	vm4 =	veq.s32 v35, $0x1  }
0x104: {  	v35 =	vsel vm4, v7, v14  }
0x105: {  	v36 =	vshrl.u32 v36, $0xF;
	v35 =	vmax.f32 v35, $9.999999740e-05  }
0x106: {  	v36 =	vadd.s32 $0xFFFF8F00, v36;
	v35 =	vshrl.u32 v35, $0xF  }
0x107: {  	v35 =	vadd.s32 $0xFFFF8F00, v35  }
0x108: {  	v12 =	vsel vm3, v12, v19  }
0x109: {  	v12 =	vmax.f32 v12, $9.999999740e-05  }
0x10a: {  	v12 =	vshrl.u32 v12, $0xF  }
0x10b: {  	v46 =	vsel vm0, v33, v25;
	v16 =	vmul.f32 v16, v27;
	v12 =	vadd.s32 $0xFFFF8F00, v12;
	v50 =	vld.idx.msk [tilespmem:v36+s10+$0x0], $0xffff  }
0x10c: {  	v49 =	vsel vm2, v23, v29;
	v20 =	vadd.s32 $0xFFFF8F00, v20;
	v48 =	vsel vm4, v14, v7;
	v47 =	vld.idx.msk [tilespmem:v35+s10+$0x0], $0xffff  }
0x10d: {  	v19 =	vmul.f32 v46, v46;
	v14 =	vmax.f32 v49, $9.999999740e-05;
	v7 =	vmul.f32 v48, v48  }
0x10e: {  	v52 =	vsel vm0, $0x3E800000, v0;
	v51 =	vsel vm4, $0x3E800000, v0;
	v14 =	vshrl.u32 v14, $0xF  }
0x10f: {  	v19 =	vmul.f32 v19, v52;
	v14 =	vadd.s32 $0xFFFF8F00, v14;
	v7 =	vmul.f32 v7, v51  }
0x110: {  	v53 =	vmax.f32 v21, $9.999999740e-05;
	v12 =	vld.idx.msk [tilespmem:v12+s10+$0x0], $0xffff  }
0x111: {  	v3 =	vadd.f32 v16, v3;
	v19 =	vmul.f32 v19, v50;
	v7 =	vmul.f32 v7, v47  }
0x112: {  	v8 =	vmul.f32 v11, v8;
	v54 =	vmul.f32 v34, v31;
	v16 =	vshrl.u32 v53, $0xF;
	v20 =	vld.idx.msk [tilespmem:v20+s10+$0x0], $0xffff  }
0x113: {  	v16 =	vadd.s32 $0xFFFF8F00, v16;
	v3 =	vadd.f32 v19, v3;
	v7 =	vadd.f32 v7, v13  }
0x114: {  	v55 =	vmul.f32 v28, v28;
	v57 =	vmul.f32 v30, v17;
	v56 =	vld.idx.msk [tilespmem:v14+s10+$0x0], $0xffff  }
0x115: {  	v5 =	vadd.f32 v54, v5;
	v8 =	vmul.f32 v8, v12;
	v3 =	vadd.f32 v7, v3  }
0x116: {  	v58 =	vsel vm1, $0x3E800000, v0;
	v11 =	vmul.f32 v55, v18  }
0x117: {  	v59 =	vmul.f32 v57, v20;
	v8 =	vadd.f32 v8, v9;
	v3 =	vadd.f32 v5, v3  }
0x118: {  	v2 =	vadd.f32 v32, v2;
	v60 =	vmul.f32 v22, v58;
	v61 =	vld.idx.msk [tilespmem:v16+s10+$0x0], $0xffff  }
0x119: {  	v9 =	vadd.f32 v59, v10;
	v62 =	vmul.f32 v11, v56;
	v3 =	vadd.f32 v8, v3  }
0x11a: {  	v6 =	vmul.f32 v15, v6  }
0x11b: {  	v2 =	vadd.f32 v62, v2;
	v5 =	vmul.f32 v60, v26;
	v3 =	vadd.f32 v9, v3  }
0x11c: {  	v1 =	vadd.f32 v24, v1  }
0x11d: {  	v63 =	vmul.f32 v6, v61;
	v4 =	vadd.f32 v5, v4;
	v2 =	vadd.f32 v2, v3;
	_ =	sdelay $0x1  }
0x11e: {  	v1 =	vadd.f32 v63, v1;
	v2 =	vadd.f32 v4, v2;
	_ =	sdelay $0x1  }
0x11f: {  	s18 =	sadd.s32 $0x1, s18;
	v1 =	vadd.f32 v1, v2  }
0x120: {  	p0 =	sne.s32 s18, s9  }
.Ltmp6:
0x121: {  	[tilespmem:$0x8E80] =	vst v1;
	(pc) =	sbr.rel @p0 .LBB2_1-.Ltmp6, $4  }
0x122: {  	[hbm4b:s8+s2] =	stream.linear.scatter [tilespmem:s16], [sflag:$0x6], $0x10, $0x38;
	[tilespmem:$0x8F00] =	vst v63  }
0x123: {  	_ =	swait.ge [sflag:s17], $0x10  }
0x124: {  	[sflag:s17] =	ssyncset.done $0x0  }
0x125: {  	[sflag:s17] =	ssyncadd.s32 $0xFFFFFFF0  }
0x126: {  	_ =	sfence.sel $0x180000  }
0x127: {  	[bflag:$0x0] =	sbarrier.arrive $0xFFFF  }
0x128: {  	p0 =	sne.s32 s1, $0x0;
	_ =	strace $0x90000047  }
0x129: {  	s0 =	sadd.s32 @!p0 $0x100000, s0;
	[bflag:$0x2] =	sbarrier.arrive $0xFFFF  }
0x12a: {  	[sflag:s0] =	ssyncadd.tile.s32 @!p0 $0x1;
	_ =	shalt  }
.Lfunc_end2:
_tile_overlayer_lowered:
.L_overlay_start_2:
0x12b: {  	(tag) =	ssettag $0x2  }
0x12c: {  	s0 =	rddreg [dreg:$0x0];
	s2 =	stileid.u32  }
0x12d: {  	s1 =	rddreg [dreg:$0x1];
	p0 =	sne.s32 s2, $0x0  }
0x12e: {  	s3 =	rddreg [dreg:$0x2];
	[bflag:$0x3] =	sbarrier.arrive $0xFFFF;
	s2 =	simm.s32 @!p0 $0x1C06  }
0x12f: {  	[timem:s3], [sflag:s2] =	dma.local @!p0 [hbm:s0], s1  }
0x130: {  	s0 =	simm.s32 @!p0 $0x6  }
0x131: {  	_ =	swait.ge @!p0 [sflag:s0], s1  }
0x132: {  	s1 =	ssub.s32 @!p0 $0x0, s1;
	[sflag:s0] =	ssyncset.done @!p0 $0x0  }
0x133: {  	[sflag:s0] =	ssyncadd.s32 @!p0 s1  }
0x134: {  	[bflag:$0x3] =	sbarrier.arrive $0xFFFF  }
0x135: {  	_ =	shalt  }

</sc_bundles>
